<compile_context>
chip_gen: v7x
topology: tpu7x:2x2x1
jax: 0.10.2.dev20260603
libtpu: 0.0.44.dev20260713+nightly
codegen_flags: <defaults>
</compile_context>

<pallas_src>
import functools

import jax
import jax.numpy as jnp
from jax import lax
from jax.experimental import pallas as pl
from jax.experimental.pallas import tpu as pltpu
from jax.experimental.pallas import tpu_sc as plsc

_BATCH = 16384
_EMBED = 64


def _make_gather(batch, embed):
    info = plsc.get_sparse_core_info()
    nw = info.num_cores * info.num_subcores
    b_per_w = batch // nw

    mesh = plsc.VectorSubcoreMesh(core_axis_name="c", subcore_axis_name="s")

    @functools.partial(
        pl.kernel,
        mesh=mesh,
        out_type=jax.ShapeDtypeStruct((batch, embed), jnp.float32),
        scratch_types=[
            pltpu.VMEM((b_per_w,), jnp.int32),
            pltpu.VMEM((b_per_w, embed), jnp.float32),
            pltpu.SemaphoreType.DMA,
        ],
        compiler_params=pltpu.CompilerParams(needs_layout_passes=False),
        cost_estimate=pl.CostEstimate(
            flops=1, bytes_accessed=8 * 1024 * 1024, transcendentals=0),
    )
    def gather(center_hbm, table_hbm, out_hbm, idx_v, out_v, sem):
        wid = lax.axis_index("s") * info.num_cores + lax.axis_index("c")
        base = wid * b_per_w
        pltpu.sync_copy(center_hbm.at[pl.ds(base, b_per_w)], idx_v)
        lanes = lax.iota(jnp.int32, 16)

        def body(g, _):
            iv = idx_v[pl.ds(g * 16, 16)]
            for j in range(16):
                sj = jnp.max(jnp.where(lanes == j, iv, 0))
                pltpu.async_copy(table_hbm.at[sj], out_v.at[g * 16 + j], sem)
            return ()

        lax.fori_loop(0, b_per_w // 16, body, ())
        pltpu.make_async_copy(table_hbm.at[pl.ds(0, b_per_w)], out_v, sem).wait()
        pltpu.sync_copy(out_v, out_hbm.at[pl.ds(base, b_per_w)])

    return gather


def kernel(center, table):
    gather = _make_gather(_BATCH, _EMBED)
    return gather(center.astype(jnp.int32), table)

# --- scband reference (transcript-rebuilt; emitter-appended) ---
"""Pipeline reference for scband-skip-gram-19164144074753 (READ-ONLY COPY).

The authoritative reference and input builder live on the scoring server;
editing this copy changes nothing except your own understanding.
"""

import jax, jax.numpy as jnp
import numpy as np

VOCAB = 1000000
EMBED = 64
BATCH = 16384

def setup_inputs(seed: int = 0) -> dict:
    key = jax.random.key(seed)
    k1, k2 = jax.random.split(key)
    center = jax.random.randint(k1, (BATCH,), 0, VOCAB, dtype=jnp.int64 if jax.config.jax_enable_x64 else jnp.int32)
    table = jax.random.normal(k2, (VOCAB, EMBED), dtype=jnp.float32) * 0.02
    return {"center": center, "table": table}

def reference(center, table):
    # nn.Embedding(vocab_size, embed_dims)(center)
    return jnp.take(table, center, axis=0)

if __name__ == "__main__":
    import jax
    _d = setup_inputs()
    print(jax.jit(kernel)(*tuple(_d.values())))

</pallas_src>

<mosaic_0001>
#map = affine_map<(d0, d1) -> (0)>
#map1 = affine_map<(d0, d1) -> (0, 0)>
module attributes {stable_mosaic.version = 14 : i64} {
  func.func @gather(%arg0: i32, %arg1: i32, %arg2: memref<16384xi32, #tpu.memory_space<hbm>>, %arg3: memref<1000000x64xf32, #tpu.memory_space<hbm>>, %arg4: memref<16384x64xf32, #tpu.memory_space<hbm>>, %arg5: memref<512xi32, #tpu.memory_space<vmem>>, %arg6: memref<512x64xf32, #tpu.memory_space<vmem>>, %arg7: memref<!tpu.dma_semaphore, #tpu.memory_space<semaphore_mem>>) attributes {dimension_semantics = [#tpu.dimension_semantics<core_parallel>, #tpu.dimension_semantics<subcore_parallel>], iteration_bounds = array<i64: 2, 16>, scalar_prefetch = 0 : i64, scratch_operands = 3 : i64, tpu.core_type = #tpu.core_type<sc_vector_subcore>, window_params = [{transform_indices = #map}, {transform_indices = #map1}, {transform_indices = #map1}]} {
    %mul3A = arith.constant 2 : i32
    %mul3A_0 = arith.muli %arg1, %mul3A : i32
    %add3A = arith.addi %mul3A_0, %arg0 : i32
    %mul3A_1 = arith.constant 512 : i32
    %mul3A_2 = arith.muli %add3A, %mul3A_1 : i32
    "tpu.region"() ({
      %run_scoped3A = tpu.sem_alloc : memref<!tpu.dma_semaphore, #tpu.memory_space<semaphore_mem>>
      %dma_start3A = tpu.memref_slice %arg2[%mul3A_2] : memref<16384xi32, #tpu.memory_space<hbm>> -> memref<512xi32, #tpu.memory_space<hbm>>
      %dma_start3A_12 = tpu.memref_slice %arg2[%mul3A_2] : memref<16384xi32, #tpu.memory_space<hbm>> -> memref<512xi32, #tpu.memory_space<hbm>>
      tpu.enqueue_dma source(%dma_start3A_12 : memref<512xi32, #tpu.memory_space<hbm>>) target(%arg5 : memref<512xi32, #tpu.memory_space<vmem>>) target_semaphore(%run_scoped3A : memref<!tpu.dma_semaphore, #tpu.memory_space<semaphore_mem>>)
      %dma_wait3A_13 = tpu.memref_slice %arg2[%mul3A_2] : memref<16384xi32, #tpu.memory_space<hbm>> -> memref<512xi32, #tpu.memory_space<hbm>>
      %dma_wait3A_14 = tpu.memref_slice %arg2[%mul3A_2] : memref<16384xi32, #tpu.memory_space<hbm>> -> memref<512xi32, #tpu.memory_space<hbm>>
      tpu.wait_dma2 semaphore(%run_scoped3A : memref<!tpu.dma_semaphore, #tpu.memory_space<semaphore_mem>>) src(%dma_wait3A_14 : memref<512xi32, #tpu.memory_space<hbm>>) dst(%arg5 : memref<512xi32, #tpu.memory_space<vmem>>)
      tpu.yield
    }) : () -> ()
    %iota3A = tpu.iota {dimensions = array<i32: 0>} : vector<16xi32>
    %scan3A = arith.constant 0 : i32
    %scan3A_3 = arith.constant 32 : i32
    %scan3A_4 = arith.addi %scan3A, %scan3A_3 : i32
    %scan3A_5 = arith.constant 1 : i32
    scf.for %scan3A_12 = %scan3A to %scan3A_4 step %scan3A_5  : i32 {
      %mul3A_13 = arith.constant 16 : i32
      %mul3A_14 = arith.muli %scan3A_12, %mul3A_13 : i32
      %get3A = arith.index_cast %mul3A_14 : i32 to index
      %get3A_15 = tpu.vector_load %arg5[%get3A] {strides = array<i32>} : memref<512xi32, #tpu.memory_space<vmem>>, vector<16xi32>,
      %eq3A = arith.constant 0 : i32
      %eq3A_16 = vector.broadcast %eq3A : i32 to vector<16xi32>
      %eq3A_17 = arith.cmpi eq, %iota3A, %eq3A_16 : vector<16xi32>
      %jit3A = arith.constant 0 : i32
      %broadcast_in_dim3A = vector.broadcast %jit3A : i32 to vector<16xi32>
      %select_n3A = arith.select %eq3A_17, %get3A_15, %broadcast_in_dim3A : vector<16xi1>, vector<16xi32>
      %reduce_max3A = arith.constant true
      %reduce_max3A_18 = vector.broadcast %reduce_max3A : i1 to vector<16xi1>
      %reduce_max3A_19 = arith.constant -2147483648 : i32
      %reduce_max3A_20 = vector.broadcast %reduce_max3A_19 : i32 to vector<16xi32>
      %reduce_max3A_21 = arith.xori %select_n3A, %reduce_max3A_20 : vector<16xi32>
      %reduce_max3A_22 = tpu.scan <max>, %reduce_max3A_21 masked %reduce_max3A_18 : vector<16xi32>, vector<16xi1> -> vector<16xi32>
      %reduce_max3A_23 = arith.xori %reduce_max3A_22, %reduce_max3A_20 : vector<16xi32>
      %reduce_max3A_24 = vector.extract %reduce_max3A_23[15] : i32 from vector<16xi32>
      %mul3A_25 = arith.constant 16 : i32
      %mul3A_26 = arith.muli %scan3A_12, %mul3A_25 : i32
      %add3A_27 = arith.constant 0 : i32
      %add3A_28 = arith.addi %mul3A_26, %add3A_27 : i32
      %dma_start3A = arith.constant 0 : i32
      %dma_start3A_29 = tpu.memref_slice %arg6[%add3A_28, %dma_start3A] : memref<512x64xf32, #tpu.memory_space<vmem>> -> memref<1x64xf32, #tpu.memory_space<vmem>>
      %dma_start3A_30 = tpu.memref_squeeze %dma_start3A_29 : memref<1x64xf32, #tpu.memory_space<vmem>> -> memref<64xf32, #tpu.memory_space<vmem>>
      %dma_start3A_31 = arith.constant 0 : i32
      %dma_start3A_32 = tpu.memref_slice %arg3[%reduce_max3A_24, %dma_start3A_31] : memref<1000000x64xf32, #tpu.memory_space<hbm>> -> memref<1x64xf32, #tpu.memory_space<hbm>>
      %dma_start3A_33 = tpu.memref_squeeze %dma_start3A_32 : memref<1x64xf32, #tpu.memory_space<hbm>> -> memref<64xf32, #tpu.memory_space<hbm>>
      %dma_start3A_34 = arith.constant 0 : i32
      %dma_start3A_35 = tpu.memref_slice %arg6[%add3A_28, %dma_start3A_34] : memref<512x64xf32, #tpu.memory_space<vmem>> -> memref<1x64xf32, #tpu.memory_space<vmem>>
      %dma_start3A_36 = tpu.memref_squeeze %dma_start3A_35 : memref<1x64xf32, #tpu.memory_space<vmem>> -> memref<64xf32, #tpu.memory_space<vmem>>
      %dma_start3A_37 = arith.constant 0 : i32
      %dma_start3A_38 = tpu.memref_slice %arg3[%reduce_max3A_24, %dma_start3A_37] : memref<1000000x64xf32, #tpu.memory_space<hbm>> -> memref<1x64xf32, #tpu.memory_space<hbm>>
      %dma_start3A_39 = tpu.memref_squeeze %dma_start3A_38 : memref<1x64xf32, #tpu.memory_space<hbm>> -> memref<64xf32, #tpu.memory_space<hbm>>
      tpu.enqueue_dma source(%dma_start3A_39 : memref<64xf32, #tpu.memory_space<hbm>>) target(%dma_start3A_36 : memref<64xf32, #tpu.memory_space<vmem>>) target_semaphore(%arg7 : memref<!tpu.dma_semaphore, #tpu.memory_space<semaphore_mem>>)
      %eq3A_40 = arith.constant 1 : i32
      %eq3A_41 = vector.broadcast %eq3A_40 : i32 to vector<16xi32>
      %eq3A_42 = arith.cmpi eq, %iota3A, %eq3A_41 : vector<16xi32>
      %jit3A_43 = arith.constant 0 : i32
      %broadcast_in_dim3A_44 = vector.broadcast %jit3A_43 : i32 to vector<16xi32>
      %select_n3A_45 = arith.select %eq3A_42, %get3A_15, %broadcast_in_dim3A_44 : vector<16xi1>, vector<16xi32>
      %reduce_max3A_46 = arith.constant true
      %reduce_max3A_47 = vector.broadcast %reduce_max3A_46 : i1 to vector<16xi1>
      %reduce_max3A_48 = arith.constant -2147483648 : i32
      %reduce_max3A_49 = vector.broadcast %reduce_max3A_48 : i32 to vector<16xi32>
      %reduce_max3A_50 = arith.xori %select_n3A_45, %reduce_max3A_49 : vector<16xi32>
      %reduce_max3A_51 = tpu.scan <max>, %reduce_max3A_50 masked %reduce_max3A_47 : vector<16xi32>, vector<16xi1> -> vector<16xi32>
      %reduce_max3A_52 = arith.xori %reduce_max3A_51, %reduce_max3A_49 : vector<16xi32>
      %reduce_max3A_53 = vector.extract %reduce_max3A_52[15] : i32 from vector<16xi32>
      %mul3A_54 = arith.constant 16 : i32
      %mul3A_55 = arith.muli %scan3A_12, %mul3A_54 : i32
      %add3A_56 = arith.constant 1 : i32
      %add3A_57 = arith.addi %mul3A_55, %add3A_56 : i32
      %dma_start3A_58 = arith.constant 0 : i32
      %dma_start3A_59 = tpu.memref_slice %arg6[%add3A_57, %dma_start3A_58] : memref<512x64xf32, #tpu.memory_space<vmem>> -> memref<1x64xf32, #tpu.memory_space<vmem>>
      %dma_start3A_60 = tpu.memref_squeeze %dma_start3A_59 : memref<1x64xf32, #tpu.memory_space<vmem>> -> memref<64xf32, #tpu.memory_space<vmem>>
      %dma_start3A_61 = arith.constant 0 : i32
      %dma_start3A_62 = tpu.memref_slice %arg3[%reduce_max3A_53, %dma_start3A_61] : memref<1000000x64xf32, #tpu.memory_space<hbm>> -> memref<1x64xf32, #tpu.memory_space<hbm>>
      %dma_start3A_63 = tpu.memref_squeeze %dma_start3A_62 : memref<1x64xf32, #tpu.memory_space<hbm>> -> memref<64xf32, #tpu.memory_space<hbm>>
      %dma_start3A_64 = arith.constant 0 : i32
      %dma_start3A_65 = tpu.memref_slice %arg6[%add3A_57, %dma_start3A_64] : memref<512x64xf32, #tpu.memory_space<vmem>> -> memref<1x64xf32, #tpu.memory_space<vmem>>
      %dma_start3A_66 = tpu.memref_squeeze %dma_start3A_65 : memref<1x64xf32, #tpu.memory_space<vmem>> -> memref<64xf32, #tpu.memory_space<vmem>>
      %dma_start3A_67 = arith.constant 0 : i32
      %dma_start3A_68 = tpu.memref_slice %arg3[%reduce_max3A_53, %dma_start3A_67] : memref<1000000x64xf32, #tpu.memory_space<hbm>> -> memref<1x64xf32, #tpu.memory_space<hbm>>
      %dma_start3A_69 = tpu.memref_squeeze %dma_start3A_68 : memref<1x64xf32, #tpu.memory_space<hbm>> -> memref<64xf32, #tpu.memory_space<hbm>>
      tpu.enqueue_dma source(%dma_start3A_69 : memref<64xf32, #tpu.memory_space<hbm>>) target(%dma_start3A_66 : memref<64xf32, #tpu.memory_space<vmem>>) target_semaphore(%arg7 : memref<!tpu.dma_semaphore, #tpu.memory_space<semaphore_mem>>)
      %eq3A_70 = arith.constant 2 : i32
      %eq3A_71 = vector.broadcast %eq3A_70 : i32 to vector<16xi32>
      %eq3A_72 = arith.cmpi eq, %iota3A, %eq3A_71 : vector<16xi32>
      %jit3A_73 = arith.constant 0 : i32
      %broadcast_in_dim3A_74 = vector.broadcast %jit3A_73 : i32 to vector<16xi32>
      %select_n3A_75 = arith.select %eq3A_72, %get3A_15, %broadcast_in_dim3A_74 : vector<16xi1>, vector<16xi32>
      %reduce_max3A_76 = arith.constant true
      %reduce_max3A_77 = vector.broadcast %reduce_max3A_76 : i1 to vector<16xi1>
      %reduce_max3A_78 = arith.constant -2147483648 : i32
      %reduce_max3A_79 = vector.broadcast %reduce_max3A_78 : i32 to vector<16xi32>
      %reduce_max3A_80 = arith.xori %select_n3A_75, %reduce_max3A_79 : vector<16xi32>
      %reduce_max3A_81 = tpu.scan <max>, %reduce_max3A_80 masked %reduce_max3A_77 : vector<16xi32>, vector<16xi1> -> vector<16xi32>
      %reduce_max3A_82 = arith.xori %reduce_max3A_81, %reduce_max3A_79 : vector<16xi32>
      %reduce_max3A_83 = vector.extract %reduce_max3A_82[15] : i32 from vector<16xi32>
      %mul3A_84 = arith.constant 16 : i32
      %mul3A_85 = arith.muli %scan3A_12, %mul3A_84 : i32
      %add3A_86 = arith.constant 2 : i32
      %add3A_87 = arith.addi %mul3A_85, %add3A_86 : i32
      %dma_start3A_88 = arith.constant 0 : i32
      %dma_start3A_89 = tpu.memref_slice %arg6[%add3A_87, %dma_start3A_88] : memref<512x64xf32, #tpu.memory_space<vmem>> -> memref<1x64xf32, #tpu.memory_space<vmem>>
      %dma_start3A_90 = tpu.memref_squeeze %dma_start3A_89 : memref<1x64xf32, #tpu.memory_space<vmem>> -> memref<64xf32, #tpu.memory_space<vmem>>
      %dma_start3A_91 = arith.constant 0 : i32
      %dma_start3A_92 = tpu.memref_slice %arg3[%reduce_max3A_83, %dma_start3A_91] : memref<1000000x64xf32, #tpu.memory_space<hbm>> -> memref<1x64xf32, #tpu.memory_space<hbm>>
      %dma_start3A_93 = tpu.memref_squeeze %dma_start3A_92 : memref<1x64xf32, #tpu.memory_space<hbm>> -> memref<64xf32, #tpu.memory_space<hbm>>
      %dma_start3A_94 = arith.constant 0 : i32
      %dma_start3A_95 = tpu.memref_slice %arg6[%add3A_87, %dma_start3A_94] : memref<512x64xf32, #tpu.memory_space<vmem>> -> memref<1x64xf32, #tpu.memory_space<vmem>>
      %dma_start3A_96 = tpu.memref_squeeze %dma_start3A_95 : memref<1x64xf32, #tpu.memory_space<vmem>> -> memref<64xf32, #tpu.memory_space<vmem>>
      %dma_start3A_97 = arith.constant 0 : i32
      %dma_start3A_98 = tpu.memref_slice %arg3[%reduce_max3A_83, %dma_start3A_97] : memref<1000000x64xf32, #tpu.memory_space<hbm>> -> memref<1x64xf32, #tpu.memory_space<hbm>>
      %dma_start3A_99 = tpu.memref_squeeze %dma_start3A_98 : memref<1x64xf32, #tpu.memory_space<hbm>> -> memref<64xf32, #tpu.memory_space<hbm>>
      tpu.enqueue_dma source(%dma_start3A_99 : memref<64xf32, #tpu.memory_space<hbm>>) target(%dma_start3A_96 : memref<64xf32, #tpu.memory_space<vmem>>) target_semaphore(%arg7 : memref<!tpu.dma_semaphore, #tpu.memory_space<semaphore_mem>>)
      %eq3A_100 = arith.constant 3 : i32
      %eq3A_101 = vector.broadcast %eq3A_100 : i32 to vector<16xi32>
      %eq3A_102 = arith.cmpi eq, %iota3A, %eq3A_101 : vector<16xi32>
      %jit3A_103 = arith.constant 0 : i32
      %broadcast_in_dim3A_104 = vector.broadcast %jit3A_103 : i32 to vector<16xi32>
      %select_n3A_105 = arith.select %eq3A_102, %get3A_15, %broadcast_in_dim3A_104 : vector<16xi1>, vector<16xi32>
      %reduce_max3A_106 = arith.constant true
      %reduce_max3A_107 = vector.broadcast %reduce_max3A_106 : i1 to vector<16xi1>
      %reduce_max3A_108 = arith.constant -2147483648 : i32
      %reduce_max3A_109 = vector.broadcast %reduce_max3A_108 : i32 to vector<16xi32>
      %reduce_max3A_110 = arith.xori %select_n3A_105, %reduce_max3A_109 : vector<16xi32>
      %reduce_max3A_111 = tpu.scan <max>, %reduce_max3A_110 masked %reduce_max3A_107 : vector<16xi32>, vector<16xi1> -> vector<16xi32>
      %reduce_max3A_112 = arith.xori %reduce_max3A_111, %reduce_max3A_109 : vector<16xi32>
      %reduce_max3A_113 = vector.extract %reduce_max3A_112[15] : i32 from vector<16xi32>
      %mul3A_114 = arith.constant 16 : i32
      %mul3A_115 = arith.muli %scan3A_12, %mul3A_114 : i32
      %add3A_116 = arith.constant 3 : i32
      %add3A_117 = arith.addi %mul3A_115, %add3A_116 : i32
      %dma_start3A_118 = arith.constant 0 : i32
      %dma_start3A_119 = tpu.memref_slice %arg6[%add3A_117, %dma_start3A_118] : memref<512x64xf32, #tpu.memory_space<vmem>> -> memref<1x64xf32, #tpu.memory_space<vmem>>
      %dma_start3A_120 = tpu.memref_squeeze %dma_start3A_119 : memref<1x64xf32, #tpu.memory_space<vmem>> -> memref<64xf32, #tpu.memory_space<vmem>>
      %dma_start3A_121 = arith.constant 0 : i32
      %dma_start3A_122 = tpu.memref_slice %arg3[%reduce_max3A_113, %dma_start3A_121] : memref<1000000x64xf32, #tpu.memory_space<hbm>> -> memref<1x64xf32, #tpu.memory_space<hbm>>
      %dma_start3A_123 = tpu.memref_squeeze %dma_start3A_122 : memref<1x64xf32, #tpu.memory_space<hbm>> -> memref<64xf32, #tpu.memory_space<hbm>>
      %dma_start3A_124 = arith.constant 0 : i32
      %dma_start3A_125 = tpu.memref_slice %arg6[%add3A_117, %dma_start3A_124] : memref<512x64xf32, #tpu.memory_space<vmem>> -> memref<1x64xf32, #tpu.memory_space<vmem>>
      %dma_start3A_126 = tpu.memref_squeeze %dma_start3A_125 : memref<1x64xf32, #tpu.memory_space<vmem>> -> memref<64xf32, #tpu.memory_space<vmem>>
      %dma_start3A_127 = arith.constant 0 : i32
      %dma_start3A_128 = tpu.memref_slice %arg3[%reduce_max3A_113, %dma_start3A_127] : memref<1000000x64xf32, #tpu.memory_space<hbm>> -> memref<1x64xf32, #tpu.memory_space<hbm>>
      %dma_start3A_129 = tpu.memref_squeeze %dma_start3A_128 : memref<1x64xf32, #tpu.memory_space<hbm>> -> memref<64xf32, #tpu.memory_space<hbm>>
      tpu.enqueue_dma source(%dma_start3A_129 : memref<64xf32, #tpu.memory_space<hbm>>) target(%dma_start3A_126 : memref<64xf32, #tpu.memory_space<vmem>>) target_semaphore(%arg7 : memref<!tpu.dma_semaphore, #tpu.memory_space<semaphore_mem>>)
      %eq3A_130 = arith.constant 4 : i32
      %eq3A_131 = vector.broadcast %eq3A_130 : i32 to vector<16xi32>
      %eq3A_132 = arith.cmpi eq, %iota3A, %eq3A_131 : vector<16xi32>
      %jit3A_133 = arith.constant 0 : i32
      %broadcast_in_dim3A_134 = vector.broadcast %jit3A_133 : i32 to vector<16xi32>
      %select_n3A_135 = arith.select %eq3A_132, %get3A_15, %broadcast_in_dim3A_134 : vector<16xi1>, vector<16xi32>
      %reduce_max3A_136 = arith.constant true
      %reduce_max3A_137 = vector.broadcast %reduce_max3A_136 : i1 to vector<16xi1>
      %reduce_max3A_138 = arith.constant -2147483648 : i32
      %reduce_max3A_139 = vector.broadcast %reduce_max3A_138 : i32 to vector<16xi32>
      %reduce_max3A_140 = arith.xori %select_n3A_135, %reduce_max3A_139 : vector<16xi32>
      %reduce_max3A_141 = tpu.scan <max>, %reduce_max3A_140 masked %reduce_max3A_137 : vector<16xi32>, vector<16xi1> -> vector<16xi32>
      %reduce_max3A_142 = arith.xori %reduce_max3A_141, %reduce_max3A_139 : vector<16xi32>
      %reduce_max3A_143 = vector.extract %reduce_max3A_142[15] : i32 from vector<16xi32>
      %mul3A_144 = arith.constant 16 : i32
      %mul3A_145 = arith.muli %scan3A_12, %mul3A_144 : i32
      %add3A_146 = arith.constant 4 : i32
      %add3A_147 = arith.addi %mul3A_145, %add3A_146 : i32
      %dma_start3A_148 = arith.constant 0 : i32
      %dma_start3A_149 = tpu.memref_slice %arg6[%add3A_147, %dma_start3A_148] : memref<512x64xf32, #tpu.memory_space<vmem>> -> memref<1x64xf32, #tpu.memory_space<vmem>>
      %dma_start3A_150 = tpu.memref_squeeze %dma_start3A_149 : memref<1x64xf32, #tpu.memory_space<vmem>> -> memref<64xf32, #tpu.memory_space<vmem>>
      %dma_start3A_151 = arith.constant 0 : i32
      %dma_start3A_152 = tpu.memref_slice %arg3[%reduce_max3A_143, %dma_start3A_151] : memref<1000000x64xf32, #tpu.memory_space<hbm>> -> memref<1x64xf32, #tpu.memory_space<hbm>>
      %dma_start3A_153 = tpu.memref_squeeze %dma_start3A_152 : memref<1x64xf32, #tpu.memory_space<hbm>> -> memref<64xf32, #tpu.memory_space<hbm>>
      %dma_start3A_154 = arith.constant 0 : i32
      %dma_start3A_155 = tpu.memref_slice %arg6[%add3A_147, %dma_start3A_154] : memref<512x64xf32, #tpu.memory_space<vmem>> -> memref<1x64xf32, #tpu.memory_space<vmem>>
      %dma_start3A_156 = tpu.memref_squeeze %dma_start3A_155 : memref<1x64xf32, #tpu.memory_space<vmem>> -> memref<64xf32, #tpu.memory_space<vmem>>
      %dma_start3A_157 = arith.constant 0 : i32
      %dma_start3A_158 = tpu.memref_slice %arg3[%reduce_max3A_143, %dma_start3A_157] : memref<1000000x64xf32, #tpu.memory_space<hbm>> -> memref<1x64xf32, #tpu.memory_space<hbm>>
      %dma_start3A_159 = tpu.memref_squeeze %dma_start3A_158 : memref<1x64xf32, #tpu.memory_space<hbm>> -> memref<64xf32, #tpu.memory_space<hbm>>
      tpu.enqueue_dma source(%dma_start3A_159 : memref<64xf32, #tpu.memory_space<hbm>>) target(%dma_start3A_156 : memref<64xf32, #tpu.memory_space<vmem>>) target_semaphore(%arg7 : memref<!tpu.dma_semaphore, #tpu.memory_space<semaphore_mem>>)
      %eq3A_160 = arith.constant 5 : i32
      %eq3A_161 = vector.broadcast %eq3A_160 : i32 to vector<16xi32>
      %eq3A_162 = arith.cmpi eq, %iota3A, %eq3A_161 : vector<16xi32>
      %jit3A_163 = arith.constant 0 : i32
      %broadcast_in_dim3A_164 = vector.broadcast %jit3A_163 : i32 to vector<16xi32>
      %select_n3A_165 = arith.select %eq3A_162, %get3A_15, %broadcast_in_dim3A_164 : vector<16xi1>, vector<16xi32>
      %reduce_max3A_166 = arith.constant true
      %reduce_max3A_167 = vector.broadcast %reduce_max3A_166 : i1 to vector<16xi1>
      %reduce_max3A_168 = arith.constant -2147483648 : i32
      %reduce_max3A_169 = vector.broadcast %reduce_max3A_168 : i32 to vector<16xi32>
      %reduce_max3A_170 = arith.xori %select_n3A_165, %reduce_max3A_169 : vector<16xi32>
      %reduce_max3A_171 = tpu.scan <max>, %reduce_max3A_170 masked %reduce_max3A_167 : vector<16xi32>, vector<16xi1> -> vector<16xi32>
      %reduce_max3A_172 = arith.xori %reduce_max3A_171, %reduce_max3A_169 : vector<16xi32>
      %reduce_max3A_173 = vector.extract %reduce_max3A_172[15] : i32 from vector<16xi32>
      %mul3A_174 = arith.constant 16 : i32
      %mul3A_175 = arith.muli %scan3A_12, %mul3A_174 : i32
      %add3A_176 = arith.constant 5 : i32
      %add3A_177 = arith.addi %mul3A_175, %add3A_176 : i32
      %dma_start3A_178 = arith.constant 0 : i32
      %dma_start3A_179 = tpu.memref_slice %arg6[%add3A_177, %dma_start3A_178] : memref<512x64xf32, #tpu.memory_space<vmem>> -> memref<1x64xf32, #tpu.memory_space<vmem>>
      %dma_start3A_180 = tpu.memref_squeeze %dma_start3A_179 : memref<1x64xf32, #tpu.memory_space<vmem>> -> memref<64xf32, #tpu.memory_space<vmem>>
      %dma_start3A_181 = arith.constant 0 : i32
      %dma_start3A_182 = tpu.memref_slice %arg3[%reduce_max3A_173, %dma_start3A_181] : memref<1000000x64xf32, #tpu.memory_space<hbm>> -> memref<1x64xf32, #tpu.memory_space<hbm>>
      %dma_start3A_183 = tpu.memref_squeeze %dma_start3A_182 : memref<1x64xf32, #tpu.memory_space<hbm>> -> memref<64xf32, #tpu.memory_space<hbm>>
      %dma_start3A_184 = arith.constant 0 : i32
      %dma_start3A_185 = tpu.memref_slice %arg6[%add3A_177, %dma_start3A_184] : memref<512x64xf32, #tpu.memory_space<vmem>> -> memref<1x64xf32, #tpu.memory_space<vmem>>
      %dma_start3A_186 = tpu.memref_squeeze %dma_start3A_185 : memref<1x64xf32, #tpu.memory_space<vmem>> -> memref<64xf32, #tpu.memory_space<vmem>>
      %dma_start3A_187 = arith.constant 0 : i32
      %dma_start3A_188 = tpu.memref_slice %arg3[%reduce_max3A_173, %dma_start3A_187] : memref<1000000x64xf32, #tpu.memory_space<hbm>> -> memref<1x64xf32, #tpu.memory_space<hbm>>
      %dma_start3A_189 = tpu.memref_squeeze %dma_start3A_188 : memref<1x64xf32, #tpu.memory_space<hbm>> -> memref<64xf32, #tpu.memory_space<hbm>>
      tpu.enqueue_dma source(%dma_start3A_189 : memref<64xf32, #tpu.memory_space<hbm>>) target(%dma_start3A_186 : memref<64xf32, #tpu.memory_space<vmem>>) target_semaphore(%arg7 : memref<!tpu.dma_semaphore, #tpu.memory_space<semaphore_mem>>)
      %eq3A_190 = arith.constant 6 : i32
      %eq3A_191 = vector.broadcast %eq3A_190 : i32 to vector<16xi32>
      %eq3A_192 = arith.cmpi eq, %iota3A, %eq3A_191 : vector<16xi32>
      %jit3A_193 = arith.constant 0 : i32
      %broadcast_in_dim3A_194 = vector.broadcast %jit3A_193 : i32 to vector<16xi32>
      %select_n3A_195 = arith.select %eq3A_192, %get3A_15, %broadcast_in_dim3A_194 : vector<16xi1>, vector<16xi32>
      %reduce_max3A_196 = arith.constant true
      %reduce_max3A_197 = vector.broadcast %reduce_max3A_196 : i1 to vector<16xi1>
      %reduce_max3A_198 = arith.constant -2147483648 : i32
      %reduce_max3A_199 = vector.broadcast %reduce_max3A_198 : i32 to vector<16xi32>
      %reduce_max3A_200 = arith.xori %select_n3A_195, %reduce_max3A_199 : vector<16xi32>
      %reduce_max3A_201 = tpu.scan <max>, %reduce_max3A_200 masked %reduce_max3A_197 : vector<16xi32>, vector<16xi1> -> vector<16xi32>
      %reduce_max3A_202 = arith.xori %reduce_max3A_201, %reduce_max3A_199 : vector<16xi32>
      %reduce_max3A_203 = vector.extract %reduce_max3A_202[15] : i32 from vector<16xi32>
      %mul3A_204 = arith.constant 16 : i32
      %mul3A_205 = arith.muli %scan3A_12, %mul3A_204 : i32
      %add3A_206 = arith.constant 6 : i32
      %add3A_207 = arith.addi %mul3A_205, %add3A_206 : i32
      %dma_start3A_208 = arith.constant 0 : i32
      %dma_start3A_209 = tpu.memref_slice %arg6[%add3A_207, %dma_start3A_208] : memref<512x64xf32, #tpu.memory_space<vmem>> -> memref<1x64xf32, #tpu.memory_space<vmem>>
      %dma_start3A_210 = tpu.memref_squeeze %dma_start3A_209 : memref<1x64xf32, #tpu.memory_space<vmem>> -> memref<64xf32, #tpu.memory_space<vmem>>
      %dma_start3A_211 = arith.constant 0 : i32
      %dma_start3A_212 = tpu.memref_slice %arg3[%reduce_max3A_203, %dma_start3A_211] : memref<1000000x64xf32, #tpu.memory_space<hbm>> -> memref<1x64xf32, #tpu.memory_space<hbm>>
      %dma_start3A_213 = tpu.memref_squeeze %dma_start3A_212 : memref<1x64xf32, #tpu.memory_space<hbm>> -> memref<64xf32, #tpu.memory_space<hbm>>
      %dma_start3A_214 = arith.constant 0 : i32
      %dma_start3A_215 = tpu.memref_slice %arg6[%add3A_207, %dma_start3A_214] : memref<512x64xf32, #tpu.memory_space<vmem>> -> memref<1x64xf32, #tpu.memory_space<vmem>>
      %dma_start3A_216 = tpu.memref_squeeze %dma_start3A_215 : memref<1x64xf32, #tpu.memory_space<vmem>> -> memref<64xf32, #tpu.memory_space<vmem>>
      %dma_start3A_217 = arith.constant 0 : i32
      %dma_start3A_218 = tpu.memref_slice %arg3[%reduce_max3A_203, %dma_start3A_217] : memref<1000000x64xf32, #tpu.memory_space<hbm>> -> memref<1x64xf32, #tpu.memory_space<hbm>>
      %dma_start3A_219 = tpu.memref_squeeze %dma_start3A_218 : memref<1x64xf32, #tpu.memory_space<hbm>> -> memref<64xf32, #tpu.memory_space<hbm>>
      tpu.enqueue_dma source(%dma_start3A_219 : memref<64xf32, #tpu.memory_space<hbm>>) target(%dma_start3A_216 : memref<64xf32, #tpu.memory_space<vmem>>) target_semaphore(%arg7 : memref<!tpu.dma_semaphore, #tpu.memory_space<semaphore_mem>>)
      %eq3A_220 = arith.constant 7 : i32
      %eq3A_221 = vector.broadcast %eq3A_220 : i32 to vector<16xi32>
      %eq3A_222 = arith.cmpi eq, %iota3A, %eq3A_221 : vector<16xi32>
      %jit3A_223 = arith.constant 0 : i32
      %broadcast_in_dim3A_224 = vector.broadcast %jit3A_223 : i32 to vector<16xi32>
      %select_n3A_225 = arith.select %eq3A_222, %get3A_15, %broadcast_in_dim3A_224 : vector<16xi1>, vector<16xi32>
      %reduce_max3A_226 = arith.constant true
      %reduce_max3A_227 = vector.broadcast %reduce_max3A_226 : i1 to vector<16xi1>
      %reduce_max3A_228 = arith.constant -2147483648 : i32
      %reduce_max3A_229 = vector.broadcast %reduce_max3A_228 : i32 to vector<16xi32>
      %reduce_max3A_230 = arith.xori %select_n3A_225, %reduce_max3A_229 : vector<16xi32>
      %reduce_max3A_231 = tpu.scan <max>, %reduce_max3A_230 masked %reduce_max3A_227 : vector<16xi32>, vector<16xi1> -> vector<16xi32>
      %reduce_max3A_232 = arith.xori %reduce_max3A_231, %reduce_max3A_229 : vector<16xi32>
      %reduce_max3A_233 = vector.extract %reduce_max3A_232[15] : i32 from vector<16xi32>
      %mul3A_234 = arith.constant 16 : i32
      %mul3A_235 = arith.muli %scan3A_12, %mul3A_234 : i32
      %add3A_236 = arith.constant 7 : i32
      %add3A_237 = arith.addi %mul3A_235, %add3A_236 : i32
      %dma_start3A_238 = arith.constant 0 : i32
      %dma_start3A_239 = tpu.memref_slice %arg6[%add3A_237, %dma_start3A_238] : memref<512x64xf32, #tpu.memory_space<vmem>> -> memref<1x64xf32, #tpu.memory_space<vmem>>
      %dma_start3A_240 = tpu.memref_squeeze %dma_start3A_239 : memref<1x64xf32, #tpu.memory_space<vmem>> -> memref<64xf32, #tpu.memory_space<vmem>>
      %dma_start3A_241 = arith.constant 0 : i32
      %dma_start3A_242 = tpu.memref_slice %arg3[%reduce_max3A_233, %dma_start3A_241] : memref<1000000x64xf32, #tpu.memory_space<hbm>> -> memref<1x64xf32, #tpu.memory_space<hbm>>
      %dma_start3A_243 = tpu.memref_squeeze %dma_start3A_242 : memref<1x64xf32, #tpu.memory_space<hbm>> -> memref<64xf32, #tpu.memory_space<hbm>>
      %dma_start3A_244 = arith.constant 0 : i32
      %dma_start3A_245 = tpu.memref_slice %arg6[%add3A_237, %dma_start3A_244] : memref<512x64xf32, #tpu.memory_space<vmem>> -> memref<1x64xf32, #tpu.memory_space<vmem>>
      %dma_start3A_246 = tpu.memref_squeeze %dma_start3A_245 : memref<1x64xf32, #tpu.memory_space<vmem>> -> memref<64xf32, #tpu.memory_space<vmem>>
      %dma_start3A_247 = arith.constant 0 : i32
      %dma_start3A_248 = tpu.memref_slice %arg3[%reduce_max3A_233, %dma_start3A_247] : memref<1000000x64xf32, #tpu.memory_space<hbm>> -> memref<1x64xf32, #tpu.memory_space<hbm>>
      %dma_start3A_249 = tpu.memref_squeeze %dma_start3A_248 : memref<1x64xf32, #tpu.memory_space<hbm>> -> memref<64xf32, #tpu.memory_space<hbm>>
      tpu.enqueue_dma source(%dma_start3A_249 : memref<64xf32, #tpu.memory_space<hbm>>) target(%dma_start3A_246 : memref<64xf32, #tpu.memory_space<vmem>>) target_semaphore(%arg7 : memref<!tpu.dma_semaphore, #tpu.memory_space<semaphore_mem>>)
      %eq3A_250 = arith.constant 8 : i32
      %eq3A_251 = vector.broadcast %eq3A_250 : i32 to vector<16xi32>
      %eq3A_252 = arith.cmpi eq, %iota3A, %eq3A_251 : vector<16xi32>
      %jit3A_253 = arith.constant 0 : i32
      %broadcast_in_dim3A_254 = vector.broadcast %jit3A_253 : i32 to vector<16xi32>
      %select_n3A_255 = arith.select %eq3A_252, %get3A_15, %broadcast_in_dim3A_254 : vector<16xi1>, vector<16xi32>
      %reduce_max3A_256 = arith.constant true
      %reduce_max3A_257 = vector.broadcast %reduce_max3A_256 : i1 to vector<16xi1>
      %reduce_max3A_258 = arith.constant -2147483648 : i32
      %reduce_max3A_259 = vector.broadcast %reduce_max3A_258 : i32 to vector<16xi32>
      %reduce_max3A_260 = arith.xori %select_n3A_255, %reduce_max3A_259 : vector<16xi32>
      %reduce_max3A_261 = tpu.scan <max>, %reduce_max3A_260 masked %reduce_max3A_257 : vector<16xi32>, vector<16xi1> -> vector<16xi32>
      %reduce_max3A_262 = arith.xori %reduce_max3A_261, %reduce_max3A_259 : vector<16xi32>
      %reduce_max3A_263 = vector.extract %reduce_max3A_262[15] : i32 from vector<16xi32>
      %mul3A_264 = arith.constant 16 : i32
      %mul3A_265 = arith.muli %scan3A_12, %mul3A_264 : i32
      %add3A_266 = arith.constant 8 : i32
      %add3A_267 = arith.addi %mul3A_265, %add3A_266 : i32
      %dma_start3A_268 = arith.constant 0 : i32
      %dma_start3A_269 = tpu.memref_slice %arg6[%add3A_267, %dma_start3A_268] : memref<512x64xf32, #tpu.memory_space<vmem>> -> memref<1x64xf32, #tpu.memory_space<vmem>>
      %dma_start3A_270 = tpu.memref_squeeze %dma_start3A_269 : memref<1x64xf32, #tpu.memory_space<vmem>> -> memref<64xf32, #tpu.memory_space<vmem>>
      %dma_start3A_271 = arith.constant 0 : i32
      %dma_start3A_272 = tpu.memref_slice %arg3[%reduce_max3A_263, %dma_start3A_271] : memref<1000000x64xf32, #tpu.memory_space<hbm>> -> memref<1x64xf32, #tpu.memory_space<hbm>>
      %dma_start3A_273 = tpu.memref_squeeze %dma_start3A_272 : memref<1x64xf32, #tpu.memory_space<hbm>> -> memref<64xf32, #tpu.memory_space<hbm>>
      %dma_start3A_274 = arith.constant 0 : i32
      %dma_start3A_275 = tpu.memref_slice %arg6[%add3A_267, %dma_start3A_274] : memref<512x64xf32, #tpu.memory_space<vmem>> -> memref<1x64xf32, #tpu.memory_space<vmem>>
      %dma_start3A_276 = tpu.memref_squeeze %dma_start3A_275 : memref<1x64xf32, #tpu.memory_space<vmem>> -> memref<64xf32, #tpu.memory_space<vmem>>
      %dma_start3A_277 = arith.constant 0 : i32
      %dma_start3A_278 = tpu.memref_slice %arg3[%reduce_max3A_263, %dma_start3A_277] : memref<1000000x64xf32, #tpu.memory_space<hbm>> -> memref<1x64xf32, #tpu.memory_space<hbm>>
      %dma_start3A_279 = tpu.memref_squeeze %dma_start3A_278 : memref<1x64xf32, #tpu.memory_space<hbm>> -> memref<64xf32, #tpu.memory_space<hbm>>
      tpu.enqueue_dma source(%dma_start3A_279 : memref<64xf32, #tpu.memory_space<hbm>>) target(%dma_start3A_276 : memref<64xf32, #tpu.memory_space<vmem>>) target_semaphore(%arg7 : memref<!tpu.dma_semaphore, #tpu.memory_space<semaphore_mem>>)
      %eq3A_280 = arith.constant 9 : i32
      %eq3A_281 = vector.broadcast %eq3A_280 : i32 to vector<16xi32>
      %eq3A_282 = arith.cmpi eq, %iota3A, %eq3A_281 : vector<16xi32>
      %jit3A_283 = arith.constant 0 : i32
      %broadcast_in_dim3A_284 = vector.broadcast %jit3A_283 : i32 to vector<16xi32>
      %select_n3A_285 = arith.select %eq3A_282, %get3A_15, %broadcast_in_dim3A_284 : vector<16xi1>, vector<16xi32>
      %reduce_max3A_286 = arith.constant true
      %reduce_max3A_287 = vector.broadcast %reduce_max3A_286 : i1 to vector<16xi1>
      %reduce_max3A_288 = arith.constant -2147483648 : i32
      %reduce_max3A_289 = vector.broadcast %reduce_max3A_288 : i32 to vector<16xi32>
      %reduce_max3A_290 = arith.xori %select_n3A_285, %reduce_max3A_289 : vector<16xi32>
      %reduce_max3A_291 = tpu.scan <max>, %reduce_max3A_290 masked %reduce_max3A_287 : vector<16xi32>, vector<16xi1> -> vector<16xi32>
      %reduce_max3A_292 = arith.xori %reduce_max3A_291, %reduce_max3A_289 : vector<16xi32>
      %reduce_max3A_293 = vector.extract %reduce_max3A_292[15] : i32 from vector<16xi32>
      %mul3A_294 = arith.constant 16 : i32
      %mul3A_295 = arith.muli %scan3A_12, %mul3A_294 : i32
      %add3A_296 = arith.constant 9 : i32
      %add3A_297 = arith.addi %mul3A_295, %add3A_296 : i32
      %dma_start3A_298 = arith.constant 0 : i32
      %dma_start3A_299 = tpu.memref_slice %arg6[%add3A_297, %dma_start3A_298] : memref<512x64xf32, #tpu.memory_space<vmem>> -> memref<1x64xf32, #tpu.memory_space<vmem>>
      %dma_start3A_300 = tpu.memref_squeeze %dma_start3A_299 : memref<1x64xf32, #tpu.memory_space<vmem>> -> memref<64xf32, #tpu.memory_space<vmem>>
      %dma_start3A_301 = arith.constant 0 : i32
      %dma_start3A_302 = tpu.memref_slice %arg3[%reduce_max3A_293, %dma_start3A_301] : memref<1000000x64xf32, #tpu.memory_space<hbm>> -> memref<1x64xf32, #tpu.memory_space<hbm>>
      %dma_start3A_303 = tpu.memref_squeeze %dma_start3A_302 : memref<1x64xf32, #tpu.memory_space<hbm>> -> memref<64xf32, #tpu.memory_space<hbm>>
      %dma_start3A_304 = arith.constant 0 : i32
      %dma_start3A_305 = tpu.memref_slice %arg6[%add3A_297, %dma_start3A_304] : memref<512x64xf32, #tpu.memory_space<vmem>> -> memref<1x64xf32, #tpu.memory_space<vmem>>
      %dma_start3A_306 = tpu.memref_squeeze %dma_start3A_305 : memref<1x64xf32, #tpu.memory_space<vmem>> -> memref<64xf32, #tpu.memory_space<vmem>>
      %dma_start3A_307 = arith.constant 0 : i32
      %dma_start3A_308 = tpu.memref_slice %arg3[%reduce_max3A_293, %dma_start3A_307] : memref<1000000x64xf32, #tpu.memory_space<hbm>> -> memref<1x64xf32, #tpu.memory_space<hbm>>
      %dma_start3A_309 = tpu.memref_squeeze %dma_start3A_308 : memref<1x64xf32, #tpu.memory_space<hbm>> -> memref<64xf32, #tpu.memory_space<hbm>>
      tpu.enqueue_dma source(%dma_start3A_309 : memref<64xf32, #tpu.memory_space<hbm>>) target(%dma_start3A_306 : memref<64xf32, #tpu.memory_space<vmem>>) target_semaphore(%arg7 : memref<!tpu.dma_semaphore, #tpu.memory_space<semaphore_mem>>)
      %eq3A_310 = arith.constant 10 : i32
      %eq3A_311 = vector.broadcast %eq3A_310 : i32 to vector<16xi32>
      %eq3A_312 = arith.cmpi eq, %iota3A, %eq3A_311 : vector<16xi32>
      %jit3A_313 = arith.constant 0 : i32
      %broadcast_in_dim3A_314 = vector.broadcast %jit3A_313 : i32 to vector<16xi32>
      %select_n3A_315 = arith.select %eq3A_312, %get3A_15, %broadcast_in_dim3A_314 : vector<16xi1>, vector<16xi32>
      %reduce_max3A_316 = arith.constant true
      %reduce_max3A_317 = vector.broadcast %reduce_max3A_316 : i1 to vector<16xi1>
      %reduce_max3A_318 = arith.constant -2147483648 : i32
      %reduce_max3A_319 = vector.broadcast %reduce_max3A_318 : i32 to vector<16xi32>
      %reduce_max3A_320 = arith.xori %select_n3A_315, %reduce_max3A_319 : vector<16xi32>
      %reduce_max3A_321 = tpu.scan <max>, %reduce_max3A_320 masked %reduce_max3A_317 : vector<16xi32>, vector<16xi1> -> vector<16xi32>
      %reduce_max3A_322 = arith.xori %reduce_max3A_321, %reduce_max3A_319 : vector<16xi32>
      %reduce_max3A_323 = vector.extract %reduce_max3A_322[15] : i32 from vector<16xi32>
      %mul3A_324 = arith.constant 16 : i32
      %mul3A_325 = arith.muli %scan3A_12, %mul3A_324 : i32
      %add3A_326 = arith.constant 10 : i32
      %add3A_327 = arith.addi %mul3A_325, %add3A_326 : i32
      %dma_start3A_328 = arith.constant 0 : i32
      %dma_start3A_329 = tpu.memref_slice %arg6[%add3A_327, %dma_start3A_328] : memref<512x64xf32, #tpu.memory_space<vmem>> -> memref<1x64xf32, #tpu.memory_space<vmem>>
      %dma_start3A_330 = tpu.memref_squeeze %dma_start3A_329 : memref<1x64xf32, #tpu.memory_space<vmem>> -> memref<64xf32, #tpu.memory_space<vmem>>
      %dma_start3A_331 = arith.constant 0 : i32
      %dma_start3A_332 = tpu.memref_slice %arg3[%reduce_max3A_323, %dma_start3A_331] : memref<1000000x64xf32, #tpu.memory_space<hbm>> -> memref<1x64xf32, #tpu.memory_space<hbm>>
      %dma_start3A_333 = tpu.memref_squeeze %dma_start3A_332 : memref<1x64xf32, #tpu.memory_space<hbm>> -> memref<64xf32, #tpu.memory_space<hbm>>
      %dma_start3A_334 = arith.constant 0 : i32
      %dma_start3A_335 = tpu.memref_slice %arg6[%add3A_327, %dma_start3A_334] : memref<512x64xf32, #tpu.memory_space<vmem>> -> memref<1x64xf32, #tpu.memory_space<vmem>>
      %dma_start3A_336 = tpu.memref_squeeze %dma_start3A_335 : memref<1x64xf32, #tpu.memory_space<vmem>> -> memref<64xf32, #tpu.memory_space<vmem>>
      %dma_start3A_337 = arith.constant 0 : i32
      %dma_start3A_338 = tpu.memref_slice %arg3[%reduce_max3A_323, %dma_start3A_337] : memref<1000000x64xf32, #tpu.memory_space<hbm>> -> memref<1x64xf32, #tpu.memory_space<hbm>>
      %dma_start3A_339 = tpu.memref_squeeze %dma_start3A_338 : memref<1x64xf32, #tpu.memory_space<hbm>> -> memref<64xf32, #tpu.memory_space<hbm>>
      tpu.enqueue_dma source(%dma_start3A_339 : memref<64xf32, #tpu.memory_space<hbm>>) target(%dma_start3A_336 : memref<64xf32, #tpu.memory_space<vmem>>) target_semaphore(%arg7 : memref<!tpu.dma_semaphore, #tpu.memory_space<semaphore_mem>>)
      %eq3A_340 = arith.constant 11 : i32
      %eq3A_341 = vector.broadcast %eq3A_340 : i32 to vector<16xi32>
      %eq3A_342 = arith.cmpi eq, %iota3A, %eq3A_341 : vector<16xi32>
      %jit3A_343 = arith.constant 0 : i32
      %broadcast_in_dim3A_344 = vector.broadcast %jit3A_343 : i32 to vector<16xi32>
      %select_n3A_345 = arith.select %eq3A_342, %get3A_15, %broadcast_in_dim3A_344 : vector<16xi1>, vector<16xi32>
      %reduce_max3A_346 = arith.constant true
      %reduce_max3A_347 = vector.broadcast %reduce_max3A_346 : i1 to vector<16xi1>
      %reduce_max3A_348 = arith.constant -2147483648 : i32
      %reduce_max3A_349 = vector.broadcast %reduce_max3A_348 : i32 to vector<16xi32>
      %reduce_max3A_350 = arith.xori %select_n3A_345, %reduce_max3A_349 : vector<16xi32>
      %reduce_max3A_351 = tpu.scan <max>, %reduce_max3A_350 masked %reduce_max3A_347 : vector<16xi32>, vector<16xi1> -> vector<16xi32>
      %reduce_max3A_352 = arith.xori %reduce_max3A_351, %reduce_max3A_349 : vector<16xi32>
      %reduce_max3A_353 = vector.extract %reduce_max3A_352[15] : i32 from vector<16xi32>
      %mul3A_354 = arith.constant 16 : i32
      %mul3A_355 = arith.muli %scan3A_12, %mul3A_354 : i32
      %add3A_356 = arith.constant 11 : i32
      %add3A_357 = arith.addi %mul3A_355, %add3A_356 : i32
      %dma_start3A_358 = arith.constant 0 : i32
      %dma_start3A_359 = tpu.memref_slice %arg6[%add3A_357, %dma_start3A_358] : memref<512x64xf32, #tpu.memory_space<vmem>> -> memref<1x64xf32, #tpu.memory_space<vmem>>
      %dma_start3A_360 = tpu.memref_squeeze %dma_start3A_359 : memref<1x64xf32, #tpu.memory_space<vmem>> -> memref<64xf32, #tpu.memory_space<vmem>>
      %dma_start3A_361 = arith.constant 0 : i32
      %dma_start3A_362 = tpu.memref_slice %arg3[%reduce_max3A_353, %dma_start3A_361] : memref<1000000x64xf32, #tpu.memory_space<hbm>> -> memref<1x64xf32, #tpu.memory_space<hbm>>
      %dma_start3A_363 = tpu.memref_squeeze %dma_start3A_362 : memref<1x64xf32, #tpu.memory_space<hbm>> -> memref<64xf32, #tpu.memory_space<hbm>>
      %dma_start3A_364 = arith.constant 0 : i32
      %dma_start3A_365 = tpu.memref_slice %arg6[%add3A_357, %dma_start3A_364] : memref<512x64xf32, #tpu.memory_space<vmem>> -> memref<1x64xf32, #tpu.memory_space<vmem>>
      %dma_start3A_366 = tpu.memref_squeeze %dma_start3A_365 : memref<1x64xf32, #tpu.memory_space<vmem>> -> memref<64xf32, #tpu.memory_space<vmem>>
      %dma_start3A_367 = arith.constant 0 : i32
      %dma_start3A_368 = tpu.memref_slice %arg3[%reduce_max3A_353, %dma_start3A_367] : memref<1000000x64xf32, #tpu.memory_space<hbm>> -> memref<1x64xf32, #tpu.memory_space<hbm>>
      %dma_start3A_369 = tpu.memref_squeeze %dma_start3A_368 : memref<1x64xf32, #tpu.memory_space<hbm>> -> memref<64xf32, #tpu.memory_space<hbm>>
      tpu.enqueue_dma source(%dma_start3A_369 : memref<64xf32, #tpu.memory_space<hbm>>) target(%dma_start3A_366 : memref<64xf32, #tpu.memory_space<vmem>>) target_semaphore(%arg7 : memref<!tpu.dma_semaphore, #tpu.memory_space<semaphore_mem>>)
      %eq3A_370 = arith.constant 12 : i32
      %eq3A_371 = vector.broadcast %eq3A_370 : i32 to vector<16xi32>
      %eq3A_372 = arith.cmpi eq, %iota3A, %eq3A_371 : vector<16xi32>
      %jit3A_373 = arith.constant 0 : i32
      %broadcast_in_dim3A_374 = vector.broadcast %jit3A_373 : i32 to vector<16xi32>
      %select_n3A_375 = arith.select %eq3A_372, %get3A_15, %broadcast_in_dim3A_374 : vector<16xi1>, vector<16xi32>
      %reduce_max3A_376 = arith.constant true
      %reduce_max3A_377 = vector.broadcast %reduce_max3A_376 : i1 to vector<16xi1>
      %reduce_max3A_378 = arith.constant -2147483648 : i32
      %reduce_max3A_379 = vector.broadcast %reduce_max3A_378 : i32 to vector<16xi32>
      %reduce_max3A_380 = arith.xori %select_n3A_375, %reduce_max3A_379 : vector<16xi32>
      %reduce_max3A_381 = tpu.scan <max>, %reduce_max3A_380 masked %reduce_max3A_377 : vector<16xi32>, vector<16xi1> -> vector<16xi32>
      %reduce_max3A_382 = arith.xori %reduce_max3A_381, %reduce_max3A_379 : vector<16xi32>
      %reduce_max3A_383 = vector.extract %reduce_max3A_382[15] : i32 from vector<16xi32>
      %mul3A_384 = arith.constant 16 : i32
      %mul3A_385 = arith.muli %scan3A_12, %mul3A_384 : i32
      %add3A_386 = arith.constant 12 : i32
      %add3A_387 = arith.addi %mul3A_385, %add3A_386 : i32
      %dma_start3A_388 = arith.constant 0 : i32
      %dma_start3A_389 = tpu.memref_slice %arg6[%add3A_387, %dma_start3A_388] : memref<512x64xf32, #tpu.memory_space<vmem>> -> memref<1x64xf32, #tpu.memory_space<vmem>>
      %dma_start3A_390 = tpu.memref_squeeze %dma_start3A_389 : memref<1x64xf32, #tpu.memory_space<vmem>> -> memref<64xf32, #tpu.memory_space<vmem>>
      %dma_start3A_391 = arith.constant 0 : i32
      %dma_start3A_392 = tpu.memref_slice %arg3[%reduce_max3A_383, %dma_start3A_391] : memref<1000000x64xf32, #tpu.memory_space<hbm>> -> memref<1x64xf32, #tpu.memory_space<hbm>>
      %dma_start3A_393 = tpu.memref_squeeze %dma_start3A_392 : memref<1x64xf32, #tpu.memory_space<hbm>> -> memref<64xf32, #tpu.memory_space<hbm>>
      %dma_start3A_394 = arith.constant 0 : i32
      %dma_start3A_395 = tpu.memref_slice %arg6[%add3A_387, %dma_start3A_394] : memref<512x64xf32, #tpu.memory_space<vmem>> -> memref<1x64xf32, #tpu.memory_space<vmem>>
      %dma_start3A_396 = tpu.memref_squeeze %dma_start3A_395 : memref<1x64xf32, #tpu.memory_space<vmem>> -> memref<64xf32, #tpu.memory_space<vmem>>
      %dma_start3A_397 = arith.constant 0 : i32
      %dma_start3A_398 = tpu.memref_slice %arg3[%reduce_max3A_383, %dma_start3A_397] : memref<1000000x64xf32, #tpu.memory_space<hbm>> -> memref<1x64xf32, #tpu.memory_space<hbm>>
      %dma_start3A_399 = tpu.memref_squeeze %dma_start3A_398 : memref<1x64xf32, #tpu.memory_space<hbm>> -> memref<64xf32, #tpu.memory_space<hbm>>
      tpu.enqueue_dma source(%dma_start3A_399 : memref<64xf32, #tpu.memory_space<hbm>>) target(%dma_start3A_396 : memref<64xf32, #tpu.memory_space<vmem>>) target_semaphore(%arg7 : memref<!tpu.dma_semaphore, #tpu.memory_space<semaphore_mem>>)
      %eq3A_400 = arith.constant 13 : i32
      %eq3A_401 = vector.broadcast %eq3A_400 : i32 to vector<16xi32>
      %eq3A_402 = arith.cmpi eq, %iota3A, %eq3A_401 : vector<16xi32>
      %jit3A_403 = arith.constant 0 : i32
      %broadcast_in_dim3A_404 = vector.broadcast %jit3A_403 : i32 to vector<16xi32>
      %select_n3A_405 = arith.select %eq3A_402, %get3A_15, %broadcast_in_dim3A_404 : vector<16xi1>, vector<16xi32>
      %reduce_max3A_406 = arith.constant true
      %reduce_max3A_407 = vector.broadcast %reduce_max3A_406 : i1 to vector<16xi1>
      %reduce_max3A_408 = arith.constant -2147483648 : i32
      %reduce_max3A_409 = vector.broadcast %reduce_max3A_408 : i32 to vector<16xi32>
      %reduce_max3A_410 = arith.xori %select_n3A_405, %reduce_max3A_409 : vector<16xi32>
      %reduce_max3A_411 = tpu.scan <max>, %reduce_max3A_410 masked %reduce_max3A_407 : vector<16xi32>, vector<16xi1> -> vector<16xi32>
      %reduce_max3A_412 = arith.xori %reduce_max3A_411, %reduce_max3A_409 : vector<16xi32>
      %reduce_max3A_413 = vector.extract %reduce_max3A_412[15] : i32 from vector<16xi32>
      %mul3A_414 = arith.constant 16 : i32
      %mul3A_415 = arith.muli %scan3A_12, %mul3A_414 : i32
      %add3A_416 = arith.constant 13 : i32
      %add3A_417 = arith.addi %mul3A_415, %add3A_416 : i32
      %dma_start3A_418 = arith.constant 0 : i32
      %dma_start3A_419 = tpu.memref_slice %arg6[%add3A_417, %dma_start3A_418] : memref<512x64xf32, #tpu.memory_space<vmem>> -> memref<1x64xf32, #tpu.memory_space<vmem>>
      %dma_start3A_420 = tpu.memref_squeeze %dma_start3A_419 : memref<1x64xf32, #tpu.memory_space<vmem>> -> memref<64xf32, #tpu.memory_space<vmem>>
      %dma_start3A_421 = arith.constant 0 : i32
      %dma_start3A_422 = tpu.memref_slice %arg3[%reduce_max3A_413, %dma_start3A_421] : memref<1000000x64xf32, #tpu.memory_space<hbm>> -> memref<1x64xf32, #tpu.memory_space<hbm>>
      %dma_start3A_423 = tpu.memref_squeeze %dma_start3A_422 : memref<1x64xf32, #tpu.memory_space<hbm>> -> memref<64xf32, #tpu.memory_space<hbm>>
      %dma_start3A_424 = arith.constant 0 : i32
      %dma_start3A_425 = tpu.memref_slice %arg6[%add3A_417, %dma_start3A_424] : memref<512x64xf32, #tpu.memory_space<vmem>> -> memref<1x64xf32, #tpu.memory_space<vmem>>
      %dma_start3A_426 = tpu.memref_squeeze %dma_start3A_425 : memref<1x64xf32, #tpu.memory_space<vmem>> -> memref<64xf32, #tpu.memory_space<vmem>>
      %dma_start3A_427 = arith.constant 0 : i32
      %dma_start3A_428 = tpu.memref_slice %arg3[%reduce_max3A_413, %dma_start3A_427] : memref<1000000x64xf32, #tpu.memory_space<hbm>> -> memref<1x64xf32, #tpu.memory_space<hbm>>
      %dma_start3A_429 = tpu.memref_squeeze %dma_start3A_428 : memref<1x64xf32, #tpu.memory_space<hbm>> -> memref<64xf32, #tpu.memory_space<hbm>>
      tpu.enqueue_dma source(%dma_start3A_429 : memref<64xf32, #tpu.memory_space<hbm>>) target(%dma_start3A_426 : memref<64xf32, #tpu.memory_space<vmem>>) target_semaphore(%arg7 : memref<!tpu.dma_semaphore, #tpu.memory_space<semaphore_mem>>)
      %eq3A_430 = arith.constant 14 : i32
      %eq3A_431 = vector.broadcast %eq3A_430 : i32 to vector<16xi32>
      %eq3A_432 = arith.cmpi eq, %iota3A, %eq3A_431 : vector<16xi32>
      %jit3A_433 = arith.constant 0 : i32
      %broadcast_in_dim3A_434 = vector.broadcast %jit3A_433 : i32 to vector<16xi32>
      %select_n3A_435 = arith.select %eq3A_432, %get3A_15, %broadcast_in_dim3A_434 : vector<16xi1>, vector<16xi32>
      %reduce_max3A_436 = arith.constant true
      %reduce_max3A_437 = vector.broadcast %reduce_max3A_436 : i1 to vector<16xi1>
      %reduce_max3A_438 = arith.constant -2147483648 : i32
      %reduce_max3A_439 = vector.broadcast %reduce_max3A_438 : i32 to vector<16xi32>
      %reduce_max3A_440 = arith.xori %select_n3A_435, %reduce_max3A_439 : vector<16xi32>
      %reduce_max3A_441 = tpu.scan <max>, %reduce_max3A_440 masked %reduce_max3A_437 : vector<16xi32>, vector<16xi1> -> vector<16xi32>
      %reduce_max3A_442 = arith.xori %reduce_max3A_441, %reduce_max3A_439 : vector<16xi32>
      %reduce_max3A_443 = vector.extract %reduce_max3A_442[15] : i32 from vector<16xi32>
      %mul3A_444 = arith.constant 16 : i32
      %mul3A_445 = arith.muli %scan3A_12, %mul3A_444 : i32
      %add3A_446 = arith.constant 14 : i32
      %add3A_447 = arith.addi %mul3A_445, %add3A_446 : i32
      %dma_start3A_448 = arith.constant 0 : i32
      %dma_start3A_449 = tpu.memref_slice %arg6[%add3A_447, %dma_start3A_448] : memref<512x64xf32, #tpu.memory_space<vmem>> -> memref<1x64xf32, #tpu.memory_space<vmem>>
      %dma_start3A_450 = tpu.memref_squeeze %dma_start3A_449 : memref<1x64xf32, #tpu.memory_space<vmem>> -> memref<64xf32, #tpu.memory_space<vmem>>
      %dma_start3A_451 = arith.constant 0 : i32
      %dma_start3A_452 = tpu.memref_slice %arg3[%reduce_max3A_443, %dma_start3A_451] : memref<1000000x64xf32, #tpu.memory_space<hbm>> -> memref<1x64xf32, #tpu.memory_space<hbm>>
      %dma_start3A_453 = tpu.memref_squeeze %dma_start3A_452 : memref<1x64xf32, #tpu.memory_space<hbm>> -> memref<64xf32, #tpu.memory_space<hbm>>
      %dma_start3A_454 = arith.constant 0 : i32
      %dma_start3A_455 = tpu.memref_slice %arg6[%add3A_447, %dma_start3A_454] : memref<512x64xf32, #tpu.memory_space<vmem>> -> memref<1x64xf32, #tpu.memory_space<vmem>>
      %dma_start3A_456 = tpu.memref_squeeze %dma_start3A_455 : memref<1x64xf32, #tpu.memory_space<vmem>> -> memref<64xf32, #tpu.memory_space<vmem>>
      %dma_start3A_457 = arith.constant 0 : i32
      %dma_start3A_458 = tpu.memref_slice %arg3[%reduce_max3A_443, %dma_start3A_457] : memref<1000000x64xf32, #tpu.memory_space<hbm>> -> memref<1x64xf32, #tpu.memory_space<hbm>>
      %dma_start3A_459 = tpu.memref_squeeze %dma_start3A_458 : memref<1x64xf32, #tpu.memory_space<hbm>> -> memref<64xf32, #tpu.memory_space<hbm>>
      tpu.enqueue_dma source(%dma_start3A_459 : memref<64xf32, #tpu.memory_space<hbm>>) target(%dma_start3A_456 : memref<64xf32, #tpu.memory_space<vmem>>) target_semaphore(%arg7 : memref<!tpu.dma_semaphore, #tpu.memory_space<semaphore_mem>>)
      %eq3A_460 = arith.constant 15 : i32
      %eq3A_461 = vector.broadcast %eq3A_460 : i32 to vector<16xi32>
      %eq3A_462 = arith.cmpi eq, %iota3A, %eq3A_461 : vector<16xi32>
      %jit3A_463 = arith.constant 0 : i32
      %broadcast_in_dim3A_464 = vector.broadcast %jit3A_463 : i32 to vector<16xi32>
      %select_n3A_465 = arith.select %eq3A_462, %get3A_15, %broadcast_in_dim3A_464 : vector<16xi1>, vector<16xi32>
      %reduce_max3A_466 = arith.constant true
      %reduce_max3A_467 = vector.broadcast %reduce_max3A_466 : i1 to vector<16xi1>
      %reduce_max3A_468 = arith.constant -2147483648 : i32
      %reduce_max3A_469 = vector.broadcast %reduce_max3A_468 : i32 to vector<16xi32>
      %reduce_max3A_470 = arith.xori %select_n3A_465, %reduce_max3A_469 : vector<16xi32>
      %reduce_max3A_471 = tpu.scan <max>, %reduce_max3A_470 masked %reduce_max3A_467 : vector<16xi32>, vector<16xi1> -> vector<16xi32>
      %reduce_max3A_472 = arith.xori %reduce_max3A_471, %reduce_max3A_469 : vector<16xi32>
      %reduce_max3A_473 = vector.extract %reduce_max3A_472[15] : i32 from vector<16xi32>
      %mul3A_474 = arith.constant 16 : i32
      %mul3A_475 = arith.muli %scan3A_12, %mul3A_474 : i32
      %add3A_476 = arith.constant 15 : i32
      %add3A_477 = arith.addi %mul3A_475, %add3A_476 : i32
      %dma_start3A_478 = arith.constant 0 : i32
      %dma_start3A_479 = tpu.memref_slice %arg6[%add3A_477, %dma_start3A_478] : memref<512x64xf32, #tpu.memory_space<vmem>> -> memref<1x64xf32, #tpu.memory_space<vmem>>
      %dma_start3A_480 = tpu.memref_squeeze %dma_start3A_479 : memref<1x64xf32, #tpu.memory_space<vmem>> -> memref<64xf32, #tpu.memory_space<vmem>>
      %dma_start3A_481 = arith.constant 0 : i32
      %dma_start3A_482 = tpu.memref_slice %arg3[%reduce_max3A_473, %dma_start3A_481] : memref<1000000x64xf32, #tpu.memory_space<hbm>> -> memref<1x64xf32, #tpu.memory_space<hbm>>
      %dma_start3A_483 = tpu.memref_squeeze %dma_start3A_482 : memref<1x64xf32, #tpu.memory_space<hbm>> -> memref<64xf32, #tpu.memory_space<hbm>>
      %dma_start3A_484 = arith.constant 0 : i32
      %dma_start3A_485 = tpu.memref_slice %arg6[%add3A_477, %dma_start3A_484] : memref<512x64xf32, #tpu.memory_space<vmem>> -> memref<1x64xf32, #tpu.memory_space<vmem>>
      %dma_start3A_486 = tpu.memref_squeeze %dma_start3A_485 : memref<1x64xf32, #tpu.memory_space<vmem>> -> memref<64xf32, #tpu.memory_space<vmem>>
      %dma_start3A_487 = arith.constant 0 : i32
      %dma_start3A_488 = tpu.memref_slice %arg3[%reduce_max3A_473, %dma_start3A_487] : memref<1000000x64xf32, #tpu.memory_space<hbm>> -> memref<1x64xf32, #tpu.memory_space<hbm>>
      %dma_start3A_489 = tpu.memref_squeeze %dma_start3A_488 : memref<1x64xf32, #tpu.memory_space<hbm>> -> memref<64xf32, #tpu.memory_space<hbm>>
      tpu.enqueue_dma source(%dma_start3A_489 : memref<64xf32, #tpu.memory_space<hbm>>) target(%dma_start3A_486 : memref<64xf32, #tpu.memory_space<vmem>>) target_semaphore(%arg7 : memref<!tpu.dma_semaphore, #tpu.memory_space<semaphore_mem>>)
    }
    %scan3A_6 = arith.constant 32 : i32
    %dma_wait3A = arith.constant 0 : i32
    %dma_wait3A_7 = arith.constant 0 : i32
    %dma_wait3A_8 = tpu.memref_slice %arg3[%dma_wait3A, %dma_wait3A_7] : memref<1000000x64xf32, #tpu.memory_space<hbm>> -> memref<512x64xf32, #tpu.memory_space<hbm>>
    %dma_wait3A_9 = arith.constant 0 : i32
    %dma_wait3A_10 = arith.constant 0 : i32
    %dma_wait3A_11 = tpu.memref_slice %arg3[%dma_wait3A_9, %dma_wait3A_10] : memref<1000000x64xf32, #tpu.memory_space<hbm>> -> memref<512x64xf32, #tpu.memory_space<hbm>>
    tpu.wait_dma2 semaphore(%arg7 : memref<!tpu.dma_semaphore, #tpu.memory_space<semaphore_mem>>) src(%dma_wait3A_11 : memref<512x64xf32, #tpu.memory_space<hbm>>) dst(%arg6 : memref<512x64xf32, #tpu.memory_space<vmem>>)
    "tpu.region"() ({
      %run_scoped3A = tpu.sem_alloc : memref<!tpu.dma_semaphore, #tpu.memory_space<semaphore_mem>>
      %dma_start3A = arith.constant 0 : i32
      %dma_start3A_12 = tpu.memref_slice %arg4[%mul3A_2, %dma_start3A] : memref<16384x64xf32, #tpu.memory_space<hbm>> -> memref<512x64xf32, #tpu.memory_space<hbm>>
      %dma_start3A_13 = arith.constant 0 : i32
      %dma_start3A_14 = tpu.memref_slice %arg4[%mul3A_2, %dma_start3A_13] : memref<16384x64xf32, #tpu.memory_space<hbm>> -> memref<512x64xf32, #tpu.memory_space<hbm>>
      tpu.enqueue_dma source(%arg6 : memref<512x64xf32, #tpu.memory_space<vmem>>) target(%dma_start3A_14 : memref<512x64xf32, #tpu.memory_space<hbm>>) target_semaphore(%run_scoped3A : memref<!tpu.dma_semaphore, #tpu.memory_space<semaphore_mem>>)
      %dma_wait3A_15 = arith.constant 0 : i32
      %dma_wait3A_16 = tpu.memref_slice %arg4[%mul3A_2, %dma_wait3A_15] : memref<16384x64xf32, #tpu.memory_space<hbm>> -> memref<512x64xf32, #tpu.memory_space<hbm>>
      %dma_wait3A_17 = arith.constant 0 : i32
      %dma_wait3A_18 = tpu.memref_slice %arg4[%mul3A_2, %dma_wait3A_17] : memref<16384x64xf32, #tpu.memory_space<hbm>> -> memref<512x64xf32, #tpu.memory_space<hbm>>
      tpu.wait_dma2 semaphore(%run_scoped3A : memref<!tpu.dma_semaphore, #tpu.memory_space<semaphore_mem>>) src(%arg6 : memref<512x64xf32, #tpu.memory_space<vmem>>) dst(%dma_wait3A_18 : memref<512x64xf32, #tpu.memory_space<hbm>>)
      tpu.yield
    }) : () -> ()
    return
  }
}

</mosaic_0001>

<sc_bundles>
// kernel: kernel.3.cloned.1.call-start
scs
__scs_entry_jumppad:
0x0: {  	(pc) =	sbr.rel $0x88, $3  }
0x1: {  	(tag) =	ssettag $0x0;
	lr =	simm.s32 $0x1  }
0x2: {  	[smem:$0x3F9F] =	sst lr;
	_ =	strace $0xD0000000  }
0x3: {  	_ = 	snop  }
0x4: {  	_ = 	snop  }
0x5: {  	_ = 	snop  }
0x6: {  	_ = 	snop  }
0x7: {  	_ = 	snop  }
__scs_overlays_trampoline_lowered:
0x8: {  	[smem:$0x3FAE] =	sst s0  }
0x9: {  	[smem:$0x3FAF] =	sst s1  }
0xa: {  	[smem:$0x3FB0] =	sst s2  }
0xb: {  	[smem:$0x3FB1] =	sst s3  }
0xc: {  	[smem:$0x3FB2] =	sst s4  }
0xd: {  	[smem:$0x3FB3] =	sst s5  }
0xe: {  	[smem:$0x3FB4] =	sst s6  }
0xf: {  	[smem:$0x3FB5] =	sst s7  }
0x10: {  	[smem:$0x3FB6] =	sst s8  }
0x11: {  	[smem:$0x3FB7] =	sst s9;
	s0 =	simm.s32 @!p0 $0x0  }
0x12: {  	s1 =	sld [smem:$0x3F9D];
	s0 =	simm.s32 @p0 $0x1  }
0x13: {  	[smem:$0x3FB8] =	sst s0;
	s0 =	simm.s32 @!p1 $0x0  }
0x14: {  	s2 =	sld [smem:$0x3F9C];
	s0 =	simm.s32 @p1 $0x1  }
0x15: {  	[smem:$0x3FB9] =	sst s0;
	s0 =	simm.s32 @!p2 $0x0  }
0x16: {  	s3 =	sld [smem:$0x3FDB];
	s0 =	simm.s32 @p2 $0x1  }
0x17: {  	s4 =	simm.s32 $0x1BF5;
	[smem:$0x3FBB] =	sst s0  }
0x18: {  	s0 =	sld [smem:$0x3F9E];
	_ =	swait.ge [sflag:s4], $0x0  }
0x19: {  	s7 =	sld [smem:$0x3F9F]  }
0x1a: {  	s8 =	sadd.s32 $0xFFFFE003, lr  }
0x1b: {  	s9 =	sadd.s32 $0xFFFFFEF7, lr;
	s5 =	simm.s32 $0xFFFFFFFF;
	p2 =	slt.u32 s8, $0xFFFFF086  }
0x1c: {  	p1 =	slt.u32 s9, $0xF7A;
	s5 =	simm.s32 @!p2 $0x0  }
0x1d: {  	s5 =	simm.s32 @p1 $0x1;
	p0 =	seq.s32 s7, s2  }
0x1e: {  	s7 =	smul.u32 @!p0 $0xF7A, s2;
	p2 =	seq.s32 @!p0 s5, $0x0  }
0x1f: {  	s9 =	smul.u32 $0xF7A, s1;
	s8 =	simm.s32 @!p0 $0x1BF5;
	p2 =	por !p2, p0  }
0x20: {  	[sflag:s8] =	ssyncset.s32 @!p0 $0xFFFFF086;
	s6 =	sadd.s32 @!p0 s3, s7;
	s7 =	simm.s32 @!p0 $0x108  }
0x21: {  	s3 =	sadd.s32 s3, s9;
	s6 =	sadd.s32 @!p0 $0x88, s6;
	s7 =	simm.s32 @p2 $0x1082  }
0x22: {  	[simem:s7], [sflag:s8] =	dma.local @!p0 [hbm:s6], $0xF7A  }
0x23: {  	s9 =	sor.u32 $0xD0000000, s2;
	s6 =	simm.s32 $0x108;
	_ =	swait.ge @!p0 [sflag:s8], $0x0  }
0x24: {  	s3 =	sadd.s32 $0x88, s3;
	s6 =	simm.s32 @!p1 $0x1082;
	[sflag:s4] =	ssyncset.s32 $0xFFFFF086  }
0x25: {  	[simem:s6], [sflag:s4] =	dma.local [hbm:s3], $0xF7A  }
0x26: {  	[smem:$0x3F9F] =	sst s1;
	(tag) =	ssettag s2;
	_ =	strace s9  }
0x27: {  	s1 =	sld [smem:$0x3FAF]  }
0x28: {  	s2 =	sld [smem:$0x3FB0]  }
0x29: {  	s4 =	sld [smem:$0x3FB2]  }
0x2a: {  	p0 =	seq.s32 s5, $0x0;
	s5 =	sld [smem:$0x3FB3]  }
0x2b: {  	s6 =	sld [smem:$0x3FB4]  }
0x2c: {  	s7 =	sld [smem:$0x3FB5]  }
0x2d: {  	s3 =	simm.s32 $0x108;
	s8 =	sld [smem:$0x3FB6]  }
0x2e: {  	s3 =	simm.s32 @!p0 $0x1082;
	s9 =	sld [smem:$0x3FB7]  }
0x2f: {  	lr =	sadd.s32 s0, s3;
	s0 =	sld [smem:$0x3FAE]  }
0x30: {  	s3 =	sld [smem:$0x3FB1]  }
0x31: {  	[smem:$0x3FBA] =	sst s10  }
0x32: {  	s10 =	sld [smem:$0x3FB8];
	_ =	sdelay $0x3  }
0x33: {  	p0 =	seq.s32 s10, $0x1;
	s10 =	sld [smem:$0x3FBA];
	_ =	sdelay $0x3  }
0x34: {  	[smem:$0x3FBA] =	sst s10  }
0x35: {  	s10 =	sld [smem:$0x3FB9];
	_ =	sdelay $0x3  }
0x36: {  	p1 =	seq.s32 s10, $0x1;
	s10 =	sld [smem:$0x3FBA];
	_ =	sdelay $0x3  }
0x37: {  	[smem:$0x3FBA] =	sst s10  }
0x38: {  	s10 =	sld [smem:$0x3FBB]  }
0x39: {  	_ = 	snop;
	(pc) =	sbr.ind lr, $3  }
0x3a: {  	_ = 	snop  }
0x3b: {  	_ = 	snop  }
0x3c: {  	p2 =	seq.s32 s10, $0x1;
	s10 =	sld [smem:$0x3FBA]  }
0x3d: {  	_ =	shalt  }
0x3e: {  	_ =	shalt  }
0x3f: {  	_ =	shalt  }
0x40: {  	_ =	shalt  }
0x41: {  	_ =	shalt  }
0x42: {  	_ =	shalt  }
0x43: {  	_ =	shalt  }
0x44: {  	_ =	shalt  }
0x45: {  	_ =	shalt  }
0x46: {  	_ =	shalt  }
0x47: {  	_ =	shalt  }
0x48: {  	_ =	shalt  }
0x49: {  	_ =	shalt  }
0x4a: {  	_ =	shalt  }
0x4b: {  	_ =	shalt  }
0x4c: {  	_ =	shalt  }
0x4d: {  	_ =	shalt  }
0x4e: {  	_ =	shalt  }
0x4f: {  	_ =	shalt  }
0x50: {  	_ =	shalt  }
0x51: {  	_ =	shalt  }
0x52: {  	_ =	shalt  }
0x53: {  	_ =	shalt  }
0x54: {  	_ =	shalt  }
0x55: {  	_ =	shalt  }
0x56: {  	_ =	shalt  }
0x57: {  	_ =	shalt  }
0x58: {  	_ =	shalt  }
0x59: {  	_ =	shalt  }
0x5a: {  	_ =	shalt  }
0x5b: {  	_ =	shalt  }
0x5c: {  	_ =	shalt  }
0x5d: {  	_ =	shalt  }
0x5e: {  	_ =	shalt  }
0x5f: {  	_ =	shalt  }
0x60: {  	_ =	shalt  }
0x61: {  	_ =	shalt  }
0x62: {  	_ =	shalt  }
0x63: {  	_ =	shalt  }
0x64: {  	_ =	shalt  }
0x65: {  	_ =	shalt  }
0x66: {  	_ =	shalt  }
0x67: {  	_ =	shalt  }
0x68: {  	_ =	shalt  }
0x69: {  	_ =	shalt  }
0x6a: {  	_ =	shalt  }
0x6b: {  	_ =	shalt  }
0x6c: {  	_ =	shalt  }
0x6d: {  	_ =	shalt  }
0x6e: {  	_ =	shalt  }
0x6f: {  	_ =	shalt  }
0x70: {  	_ =	shalt  }
0x71: {  	_ =	shalt  }
0x72: {  	_ =	shalt  }
0x73: {  	_ =	shalt  }
0x74: {  	_ =	shalt  }
0x75: {  	_ =	shalt  }
0x76: {  	_ =	shalt  }
0x77: {  	_ =	shalt  }
0x78: {  	_ =	shalt  }
0x79: {  	_ =	shalt  }
0x7a: {  	_ =	shalt  }
0x7b: {  	_ =	shalt  }
0x7c: {  	_ =	shalt  }
0x7d: {  	_ =	shalt  }
0x7e: {  	_ =	shalt  }
0x7f: {  	_ =	shalt  }
0x80: {  	_ =	shalt  }
0x81: {  	_ =	shalt  }
0x82: {  	_ =	shalt  }
0x83: {  	_ =	shalt  }
0x84: {  	_ =	shalt  }
0x85: {  	_ =	shalt  }
0x86: {  	_ =	shalt  }
0x87: {  	_ =	shalt  }
.Lfunc_end0:
.L_simem_size_0:
called_computation_lowered:
.L_overlay_start_0:
0x88: {  	s2 =	sld [smem:$0x3FD9]  }
0x89: {  	s3 =	sld [smem:$0x3FFE];
	_ =	sdelay $0x1  }
0x8a: {  	s1 =	srdreg.scid  }
0x8b: {  	s0 =	sand.u32 $0x1, s1  }
0x8c: {  	s17 =	sshll.u32 s0, $0xA;
	s2 =	sadd.s32 s3, s2  }
0x8d: {  	s2 =	sadd.s32 s2, s17  }
0x8e: {  	[smem:$0x3FC6] =	sst s2  }
0x8f: {  	_ = 	snop  }
0x90: {  	s2 =	sld [smem:$0x3FC9];
	(tm) =	ssettm $0x1  }
0x91: {  	s18 =	sld [smem:$0x3FFB];
	_ =	sdelay $0x3  }
0x92: {  	_ =	strace s18  }
0x93: {  	s3 =	sld [smem:$0x3FFC];
	_ =	sdelay $0x3  }
0x94: {  	_ =	strace s3  }
0x95: {  	s3 =	sld [smem:$0x3FFD];
	_ =	sdelay $0x3  }
0x96: {  	_ =	strace s3  }
0x97: {  	_ =	strace $0x8FFFFFFF  }
0x98: {  	s19 =	sld [smem:$0x3FDB];
	_ =	sdelay $0x1  }
0x99: {  	s4 =	simm.s32 $_scs_section_size  }
0x9a: {  	s5 =	simm.s32 $_size__tile_overlayer_lowered;
	s6 =	simm.s32 $_tile_overlayer_lowered  }
0x9b: {  	s22 =	simm.s32 $0x1BFF;
	s21 =	sshll.u32 s6, $0x1;
	s3 =	sadd.s32 s4, s19  }
0x9c: {  	s7 =	simm.s32 $0x0;
	s20 =	sshll.u32 s5, $0x1;
	s5 =	sadd.s32 s21, s3  }
0x9d: {  	[timem:s7], [sflag:s22] =	dma.local [hbm:s5], s20  }
0x9e: {  	_ =	swait.ge [sflag:s22], s20  }
0x9f: {  	s4 =	ssub.s32 $0x0, s20;
	[sflag:s22] =	ssyncset.done $0x0  }
0xa0: {  	[sflag:s22] =	ssyncadd.s32 s4;
	_ =	sdelay $0x1  }
0xa1: {  	s23 =	simm.s32 $0x1B8B  }
0xa2: {  	_ =	swait.ge [sflag:s23], $0x1  }
0xa3: {  	[sflag:s23] =	ssyncset.done $0x0  }
0xa4: {  	s25 =	simm.s32 $0x1B8E;
	s24 =	sld [smem:$0x3FFE];
	[sflag:s23] =	ssyncadd.s32 $0xFFFFFFFF  }
0xa5: {  	s26 =	simm.s32 $execute0_lowered;
	[smem:$0x3FD2] =	sst s25  }
0xa6: {  	s5 =	sshll.u32 s26, $0x1;
	_ =	strace $0x80000046;
	[dreg:$0x1] =	wrdreg $0xFFFFFFFF  }
0xa7: {  	s28 =	simm.s32 $_size_execute0_lowered;
	s3 =	sadd.s32 s3, s5;
	[dreg:$0x0] =	wrdreg $0x0  }
0xa8: {  	s5 =	sshll.u32 s28, $0x1;
	[dreg:$0x2] =	wrdreg s3  }
0xa9: {  	[dreg:$0x3] =	wrdreg s5  }
0xaa: {  	[dreg:$0x4] =	wrdreg $0xC0  }
0xab: {  	_ =	task [dreg:s7], $0x5FFFF  }
0xac: {  	[dreg:$0x1] =	wrdreg $0xFFFFFFFF  }
0xad: {  	[dreg:$0x0] =	wrdreg $0x60  }
0xae: {  	[dreg:$0x2] =	wrdreg s2  }
0xaf: {  	[dreg:$0x3] =	wrdreg s24  }
0xb0: {  	[dreg:$0x4] =	wrdreg $0x9  }
0xb1: {  	_ =	task.clear_ibuf [dreg:s7], $0x5FFFF;
	_ =	strace $0x90000046  }
0xb2: {  	s29 =	simm.s32 $0x9;
	_ =	strace $0x80000048  }
0xb3: {  	_ =	swait.ge [sflag:s29], $0x1  }
0xb4: {  	[sflag:s29] =	ssyncadd.s32 $0xFFFFFFFF  }
0xb5: {  	_ =	strace $0x90000048  }
0xb6: {  	_ =	sfence  }
0xb7: {  	s30 =	sld [smem:$0x0];
	_ =	sdelay $0x2  }
0xb8: {  	s31 =	sshll.u32 s1, $0xD;
	s1 =	sshrl.u32 s1, $0x2  }
0xb9: {  	s3 =	sand.u32 $0x4000, s31;
	s1 =	sadd.s32 s1, s30  }
0xba: {  	s0 =	sor.u32 s3, s0;
	s1 =	sshll.u32 s1, $0x11  }
0xbb: {  	s0 =	sor.u32 s1, s0  }
0xbc: {  	s0 =	sadd.s32 $0x8F2B, s0  }
0xbd: {  	[sflag:s0] =	ssyncadd.remote.s32 $0x1  }
0xbe: {  	_ =	sfence.sel $0xFFFF  }
0xbf: {  	[dreg:$0x0] =	wrdreg $0xFFFFFFFF;
	(pc) =	sbr.abs _section_cstart, $3  }
0xc0: {  	[dreg:$0x1] =	wrdreg $0xFFFFFFFF  }
0xc1: {  	_ =	task.clear_ibuf [dreg:s7], $0x2FFFF;
	_ =	strace $0x9FFFFFFF  }
0xc2: {  	(tm) =	ssettm $0x7FFFFFFF  }
0xc3: {  	_ =	shalt  }
tec
execute0_lowered:
.L_overlay_start_1:
0x0: {  	(tag) =	ssettag $0x1  }
0x1: {  	s0 =	rddreg [dreg:$0x0]  }
0x2: {  	s1 =	rddreg [dreg:$0x1];
	s2 =	simm.s32 $0x0  }
0x3: {  	s3 =	srdreg.scid;
	s5 =	stileid.u32;
	s8 =	simm.s32 $0x1  }
0x4: {  	vm0 =	vmmov $0x1;
	s10 =	simm.s32 $0x0;
	[smem:$0x7FF] =	sst s2;
	s4 =	sand.u32 $0x1, s3  }
0x5: {  	vm1 =	vcmask $0x308;
	vm2 =	vcmask $0x70C;
	vm3 =	vcmask $0xB10;
	s5 =	sshll.u32 s5, $0xA;
	s3 =	sadd.s32 $0x400, s1;
	s6 =	sshll.u32 s4, $0x9  }
0x6: {  	vm4 =	vcmask $0xF14;
	vm5 =	vcmask $0x1318;
	vm6 =	vcmask $0x171C;
	_ =	strace $0x80000047;
	s4 =	ssub.s32 $0x2, s4;
	s5 =	sor.u32 s6, s5  }
0x7: {  	vm7 =	vcmask $0x1B20;
	vm8 =	vcmask $0x1F24;
	vm9 =	vcmask $0x2328;
	s7 =	sshrl.u32 s4, $0x1;
	s6 =	sshll.u32 s5, $0x4;
	s5 =	sshrl.u32 s5, $0x3  }
0x8: {  	vm10 =	vcmask $0x272C;
	vm11 =	vcmask $0x2B30;
	vm12 =	vcmask $0x2F34;
	s31 =	ssub.s32 s4, s7;
	s7 =	simm.s32 $0x2;
	s1 =	sadd.s32 s6, s1  }
0x9: {  	vm13 =	vcmask $0x3338;
	vm14 =	vcmask $0x373C;
	vm15 =	vmmov $0x7fff;
	s4 =	sadd.s32 s0, s5;
	s6 =	smax.u32 s31, $0x1;
	s5 =	sadd.s32 $0xF42800, s1  }
.LBB2_1:
0xa: {  	[tilespmem:s2], [sflag:$0x2] =	stream.linear.gather [hbm4b:s4+s2], $0x200, $0x38;
	[tilespmem:$0x10200] =	vst v63  }
0xb: {  	_ =	swait.ge [sflag:s7], $0x200  }
0xc: {  	[sflag:s7] =	ssyncset.done $0x0  }
0xd: {  	[sflag:s7] =	ssyncadd.s32 $0xFFFFFE00  }
0xe: {  	v0 =	vld [tilespmem:s2+$0x0];
	_ =	sdelay $0x4  }
0xf: {  	v1 =	vsel vm3, $0x0, v0  }
0x10: {  	v2 =	vnsel vm0, $0x0, v0;
	v1 =	vxor.u32 $0x80000000, v1  }
0x11: {  	v2 =	vxor.u32 $0x80000000, v2;
	(xrf0) =	vmax.scan.msk.u32 $0xffff, v1;
	v1 =	vsel vm7, $0x0, v0  }
0x12: {  	(xrf0) =	vmax.scan.msk.u32 $0xffff, v2;
	v2 =	vsel vm1, $0x0, v0;
	v1 =	vxor.u32 $0x80000000, v1  }
0x13: {  	v2 =	vxor.u32 $0x80000000, v2;
	(xrf0) =	vmax.scan.msk.u32 $0xffff, v1;
	v1 =	vsel vm6, $0x0, v0  }
0x14: {  	(xrf0) =	vmax.scan.msk.u32 $0xffff, v2;
	v2 =	vsel vm2, $0x0, v0;
	v1 =	vxor.u32 $0x80000000, v1  }
0x15: {  	v2 =	vxor.u32 $0x80000000, v2;
	_ =	sdelay $0x1  }
0x16: {  	(xrf0) =	vmax.scan.msk.u32 $0xffff, v1;
	v1, _, _ =	vpop (xrf0)  }
0x17: {  	(xrf0) =	vmax.scan.msk.u32 $0xffff, v2;
	v2, _, _ =	vpop (xrf0);
	(v2sf) =	vpush v1, $0xF  }
0x18: {  	(v2sf) =	vpush v2, $0xF;
	v1, _, _ =	vpop (xrf0)  }
0x19: {  	(v2sf) =	vpush v1, $0xF;
	_ =	sdelay $0x2  }
0x1a: {  	v1 =	vsel vm4, $0x0, v0  }
0x1b: {  	v2, _, _ =	vpop (xrf0);
	v1 =	vxor.u32 $0x80000000, v1  }
0x1c: {  	v3 =	vsel vm5, $0x0, v0;
	(v2sf) =	vpush v2, $0xF;
	v2, _, _ =	vpop (xrf0);
	(xrf0) =	vmax.scan.msk.u32 $0xffff, v1  }
0x1d: {  	(v2sf) =	vpush v2, $0xF;
	v2 =	vxor.u32 $0x80000000, v3;
	v3 =	vsel vm8, $0x0, v0  }
0x1e: {  	v1 =	vsel vm9, $0x0, v0;
	v3 =	vxor.u32 $0x80000000, v3;
	(xrf0) =	vmax.scan.msk.u32 $0xffff, v2  }
0x1f: {  	v1 =	vxor.u32 $0x80000000, v1;
	v2 =	vsel vm10, $0x0, v0;
	(xrf0) =	vmax.scan.msk.u32 $0xffff, v3  }
0x20: {  	v4, _, _ =	vpop (xrf0);
	v2 =	vxor.u32 $0x80000000, v2;
	v3 =	vsel vm11, $0x0, v0;
	(xrf0) =	vmax.scan.msk.u32 $0xffff, v1  }
0x21: {  	(v2sf) =	vpush v4, $0xF;
	v3 =	vxor.u32 $0x80000000, v3;
	(xrf0) =	vmax.scan.msk.u32 $0xffff, v2  }
0x22: {  	(xrf0) =	vmax.scan.msk.u32 $0xffff, v3;
	v3 =	vsel vm14, $0x0, v0;
	v4, _, _ =	vpop (xrf0)  }
0x23: {  	v1 =	vsel vm12, $0x0, v0;
	(v2sf) =	vpush v4, $0xF  }
0x24: {  	v1 =	vxor.u32 $0x80000000, v1;
	s1 =	spop (v2sf)  }
0x25: {  	(xrf0) =	vmax.scan.msk.u32 $0xffff, v1;
	v1 =	vxor.u32 $0x80000000, v3;
	v3, _, _ =	vpop (xrf0);
	s26 =	spop (v2sf)  }
0x26: {  	s12 =	simm.s32 $0x2000;
	s11 =	simm.s32 $0x0;
	v2 =	vsel vm13, $0x0, v0;
	s29 =	spop (v2sf);
	(v2sf) =	vpush v3, $0xF  }
0x27: {  	s17 =	simm.s32 $0x300;
	s14 =	simm.s32 $0x400;
	s0 =	simm.s32 $0x200;
	v2 =	vxor.u32 $0x80000000, v2  }
0x28: {  	s20 =	simm.s32 $0x280;
	s16 =	simm.s32 $0x480;
	s18 =	simm.s32 $0x500;
	v0 =	vsel vm15, $0x0, v0;
	(xrf0) =	vmax.scan.msk.u32 $0xffff, v2  }
0x29: {  	s23 =	simm.s32 $0x380;
	s15 =	simm.s32 $0x880;
	s13 =	simm.s32 $0x10;
	v0 =	vxor.u32 $0x80000000, v0;
	v5, _, _ =	vpop (xrf0);
	(xrf0) =	vmax.scan.msk.u32 $0xffff, v1  }
0x2a: {  	s22 =	simm.s32 $0x700;
	s21 =	simm.s32 $0x780;
	s19 =	simm.s32 $0x800;
	v6, _, _ =	vpop (xrf0);
	(xrf0) =	vmax.scan.msk.u32 $0xffff, v0;
	(v2sf) =	vpush v5, $0xF  }
0x2b: {  	s25 =	simm.s32 $0x600;
	s24 =	simm.s32 $0x680;
	v7, _, _ =	vpop (xrf0);
	s26 =	sshll.u32 s26, $0x4  }
0x2c: {  	s28 =	simm.s32 $0x580;
	s1 =	sshll.u32 s1, $0x4;
	v4, _, _ =	vpop (xrf0);
	s26 =	sand.u32 $0x1FFFFFF0, s26;
	(v2sf) =	vpush v6, $0xF  }
0x2d: {  	v3, _, _ =	vpop (xrf0);
	s30 =	sand.u32 $0x1FFFFFF0, s1;
	s9 =	spop (v2sf);
	s26 =	sadd.s32 s3, s26  }
0x2e: {  	v2, _, _ =	vpop (xrf0);
	[tilespmem:s0], [sflag:$0x1] =	stream.linear.gather [hbm4b:s26+s2], $0x80, $0x38;
	[tilespmem:$0x10200] =	vst v63  }
0x2f: {  	s29 =	sshll.u32 s29, $0x4;
	v1, _, _ =	vpop (xrf0);
	s9 =	sshll.u32 s9, $0x4;
	s26 =	spop (v2sf)  }
0x30: {  	v0, _, _ =	vpop (xrf0);
	s0 =	sand.u32 $0x1FFFFFF0, s9;
	(v2sf) =	vpush v7, $0xF;
	s31 =	sshll.u32 s26, $0x4;
	s1 =	spop (v2sf)  }
.LBB2_2:
0x31: {  	s0 =	sadd.s32 s3, s0  }
0x32: {  	s1 =	sshll.u32 s1, $0x4;
	s9 =	spop (v2sf);
	(v2sf) =	vpush v4, $0xF;
	s26 =	smov.u32 s12  }
0x33: {  	[tilespmem:s20], [sflag:$0x1] =	stream.linear.gather [hbm4b:s0+s2], $0x80, $0x38;
	[tilespmem:$0x10200] =	vst v63  }
0x34: {  	s0 =	sand.u32 $0x1FFFFFF0, s1;
	s1 =	sshll.u32 s9, $0x4;
	s9 =	sand.u32 $0x1FFFFFF0, s31  }
0x35: {  	s0 =	sadd.s32 s3, s0;
	s1 =	sand.u32 $0x1FFFFFF0, s1;
	s20 =	spop (v2sf)  }
0x36: {  	[tilespmem:s17], [sflag:$0x1] =	stream.linear.gather [hbm4b:s0+s2], $0x80, $0x38;
	(v2sf) =	vpush v3, $0xF;
	[tilespmem:$0x10200] =	vst v63  }
0x37: {  	s0 =	sadd.s32 s3, s30;
	s17 =	sshll.u32 s20, $0x4;
	s20 =	sand.u32 $0x1FFFFFF0, s29  }
0x38: {  	[tilespmem:s23], [sflag:$0x1] =	stream.linear.gather [hbm4b:s0+s2], $0x80, $0x38;
	(v2sf) =	vpush v2, $0xF;
	[tilespmem:$0x10200] =	vst v63  }
0x39: {  	s0 =	sadd.s32 s3, s1;
	s1 =	sand.u32 $0x1FFFFFF0, s17;
	s17 =	spop (v2sf)  }
0x3a: {  	[tilespmem:s14], [sflag:$0x1] =	stream.linear.gather [hbm4b:s0+s2], $0x80, $0x38;
	(v2sf) =	vpush v1, $0xF;
	[tilespmem:$0x10200] =	vst v63  }
0x3b: {  	s0 =	sadd.s32 s3, s1;
	s1 =	sshll.u32 s17, $0x4;
	s14 =	spop (v2sf)  }
0x3c: {  	[tilespmem:s16], [sflag:$0x1] =	stream.linear.gather [hbm4b:s0+s2], $0x80, $0x38;
	[tilespmem:$0x10200] =	vst v63  }
0x3d: {  	s1 =	sand.u32 $0x1FFFFFF0, s1;
	s0 =	sadd.s32 s3, s9;
	s9 =	sshll.u32 s14, $0x4;
	(v2sf) =	vpush v0, $0xF  }
0x3e: {  	[tilespmem:s18], [sflag:$0x1] =	stream.linear.gather [hbm4b:s0+s2], $0x80, $0x38;
	[tilespmem:$0x10200] =	vst v63  }
0x3f: {  	s9 =	sand.u32 $0x1FFFFFF0, s9;
	s0 =	sadd.s32 s3, s20;
	s14 =	spop (v2sf)  }
0x40: {  	[tilespmem:s28], [sflag:$0x1] =	stream.linear.gather [hbm4b:s0+s2], $0x80, $0x38;
	[tilespmem:$0x10200] =	vst v63  }
0x41: {  	s0 =	sadd.s32 s3, s1;
	s1 =	sshll.u32 s14, $0x4;
	s14 =	spop (v2sf)  }
0x42: {  	[tilespmem:s25], [sflag:$0x1] =	stream.linear.gather [hbm4b:s0+s2], $0x80, $0x38;
	[tilespmem:$0x10200] =	vst v63  }
0x43: {  	s1 =	sand.u32 $0x1FFFFFF0, s1;
	s0 =	sadd.s32 s3, s9;
	s9 =	sshll.u32 s14, $0x4  }
0x44: {  	[tilespmem:s24], [sflag:$0x1] =	stream.linear.gather [hbm4b:s0+s2], $0x80, $0x38;
	[tilespmem:$0x10200] =	vst v63  }
0x45: {  	s0 =	sadd.s32 s3, s1;
	s1 =	sand.u32 $0x1FFFFFF0, s9;
	s9 =	spop (v2sf)  }
0x46: {  	[tilespmem:s22], [sflag:$0x1] =	stream.linear.gather [hbm4b:s0+s2], $0x80, $0x38;
	[tilespmem:$0x10200] =	vst v63  }
0x47: {  	s0 =	sadd.s32 s3, s1;
	s1 =	sshll.u32 s9, $0x4;
	s9 =	spop (v2sf)  }
0x48: {  	[tilespmem:s21], [sflag:$0x1] =	stream.linear.gather [hbm4b:s0+s2], $0x80, $0x38;
	[tilespmem:$0x10200] =	vst v63  }
0x49: {  	s0 =	sand.u32 $0x1FFFFFF0, s1;
	s1 =	sshll.u32 s9, $0x4;
	s9 =	spop (v2sf)  }
0x4a: {  	s0 =	sadd.s32 s3, s0;
	s1 =	sand.u32 $0x1FFFFFF0, s1;
	s9 =	sshll.u32 s9, $0x4  }
0x4b: {  	[tilespmem:s19], [sflag:$0x1] =	stream.linear.gather [hbm4b:s0+s2], $0x80, $0x38;
	[tilespmem:$0x10200] =	vst v63  }
0x4c: {  	s0 =	sadd.s32 s3, s1;
	s1 =	sand.u32 $0x1FFFFFF0, s9;
	s9 =	spop (v2sf)  }
0x4d: {  	[tilespmem:s15], [sflag:$0x1] =	stream.linear.gather [hbm4b:s0+s2], $0x80, $0x38;
	[tilespmem:$0x10200] =	vst v63  }
0x4e: {  	s1 =	sadd.s32 s3, s1;
	s0 =	sadd.s32 $0x900, s11;
	s9 =	sshll.u32 s9, $0x4  }
0x4f: {  	[tilespmem:s0], [sflag:$0x1] =	stream.linear.gather [hbm4b:s1+s2], $0x80, $0x38;
	[tilespmem:$0x10200] =	vst v63  }
0x50: {  	p0 =	sne.s32 s12, $0x3E000;
	s12 =	sadd.s32 $0x2000, s12;
	s0 =	sand.u32 $0x1FFFFFF0, s9  }
0x51: {  	s1 =	sadd.s32 $0x980, s11;
	s0 =	sadd.s32 s3, s0  }
0x52: {  	[tilespmem:s1], [sflag:$0x1] =	stream.linear.gather [hbm4b:s0+s2], $0x80, $0x38;
	[tilespmem:$0x10200] =	vst v63  }
0x53: {  	_ = 	snop  }
0x54: {  	v0 =	vld [tilespmem:s13+$0x0];
	_ =	sdelay $0x2  }
0x55: {  	s11 =	sshra.s32 s26, $0x2  }
0x56: {  	s17 =	sadd.s32 $0x300, s11  }
0x57: {  	s14 =	sadd.s32 $0x400, s11;
	v1 =	vnsel vm0, $0x0, v0;
	v2 =	vsel vm3, $0x0, v0;
	v3 =	vsel vm14, $0x0, v0  }
0x58: {  	s26 =	sadd.s32 $0x200, s11;
	s20 =	sadd.s32 $0x280, s11;
	v4 =	vsel vm6, $0x0, v0;
	v5 =	vsel vm13, $0x0, v0;
	v2 =	vxor.u32 $0x80000000, v2  }
0x59: {  	v6 =	vsel vm7, $0x0, v0;
	v1 =	vxor.u32 $0x80000000, v1;
	v3 =	vxor.u32 $0x80000000, v3;
	(xrf0) =	vmax.scan.msk.u32 $0xffff, v2  }
0x5a: {  	s16 =	sadd.s32 $0x480, s11;
	v7 =	vsel vm2, $0x0, v0;
	v6 =	vxor.u32 $0x80000000, v6;
	v2 =	vsel vm1, $0x0, v0;
	(xrf0) =	vmax.scan.msk.u32 $0xffff, v1  }
0x5b: {  	v8 =	vsel vm5, $0x0, v0;
	v1 =	vxor.u32 $0x80000000, v2;
	v2 =	vsel vm4, $0x0, v0;
	(xrf0) =	vmax.scan.msk.u32 $0xffff, v6  }
0x5c: {  	v4 =	vxor.u32 $0x80000000, v4;
	v2 =	vxor.u32 $0x80000000, v2;
	v6 =	vxor.u32 $0x80000000, v8;
	(xrf0) =	vmax.scan.msk.u32 $0xffff, v1  }
0x5d: {  	v8 =	vsel vm9, $0x0, v0;
	v1 =	vxor.u32 $0x80000000, v7;
	v7 =	vsel vm8, $0x0, v0;
	(xrf0) =	vmax.scan.msk.u32 $0xffff, v4  }
0x5e: {  	v4 =	vxor.u32 $0x80000000, v7;
	v7 =	vxor.u32 $0x80000000, v8;
	v8 =	vsel vm10, $0x0, v0;
	(xrf0) =	vmax.scan.msk.u32 $0xffff, v1  }
0x5f: {  	s18 =	sadd.s32 $0x500, s11;
	v11 =	vsel vm12, $0x0, v0;
	v1 =	vxor.u32 $0x80000000, v8;
	v8 =	vsel vm11, $0x0, v0;
	v10, _, _ =	vpop (xrf0);
	(xrf0) =	vmax.scan.msk.u32 $0xffff, v2  }
0x60: {  	s23 =	sadd.s32 $0x380, s11;
	v2 =	vxor.u32 $0x80000000, v8;
	v8 =	vxor.u32 $0x80000000, v11;
	v9, _, _ =	vpop (xrf0);
	(v2sf) =	vpush v10, $0xF;
	(xrf0) =	vmax.scan.msk.u32 $0xffff, v6  }
0x61: {  	v5 =	vxor.u32 $0x80000000, v5;
	v0 =	vsel vm15, $0x0, v0;
	(v2sf) =	vpush v9, $0xF;
	v6, _, _ =	vpop (xrf0);
	(xrf0) =	vmax.scan.msk.u32 $0xffff, v4  }
0x62: {  	v0 =	vxor.u32 $0x80000000, v0;
	v4, _, _ =	vpop (xrf0);
	(v2sf) =	vpush v6, $0xF;
	(xrf0) =	vmax.scan.msk.u32 $0xffff, v7  }
0x63: {  	(v2sf) =	vpush v4, $0xF;
	v4, _, _ =	vpop (xrf0);
	(xrf0) =	vmax.scan.msk.u32 $0xffff, v1  }
0x64: {  	v1, _, _ =	vpop (xrf0);
	(v2sf) =	vpush v4, $0xF;
	(xrf0) =	vmax.scan.msk.u32 $0xffff, v2  }
0x65: {  	(v2sf) =	vpush v1, $0xF;
	v1, _, _ =	vpop (xrf0);
	(xrf0) =	vmax.scan.msk.u32 $0xffff, v8  }
0x66: {  	v2, _, _ =	vpop (xrf0);
	(xrf0) =	vmax.scan.msk.u32 $0xffff, v5  }
0x67: {  	(v2sf) =	vpush v1, $0xF;
	v5, _, _ =	vpop (xrf0);
	(xrf0) =	vmax.scan.msk.u32 $0xffff, v3  }
0x68: {  	v6, _, _ =	vpop (xrf0);
	(xrf0) =	vmax.scan.msk.u32 $0xffff, v0  }
0x69: {  	v7, _, _ =	vpop (xrf0)  }
0x6a: {  	(v2sf) =	vpush v2, $0xF;
	v4, _, _ =	vpop (xrf0)  }
0x6b: {  	v3, _, _ =	vpop (xrf0)  }
0x6c: {  	v2, _, _ =	vpop (xrf0)  }
0x6d: {  	s15 =	sadd.s32 $0x880, s11;
	s13 =	sadd.s32 $0x10, s13;
	v1, _, _ =	vpop (xrf0)  }
0x6e: {  	s22 =	sadd.s32 $0x700, s11;
	s21 =	sadd.s32 $0x780, s11;
	s19 =	sadd.s32 $0x800, s11;
	(v2sf) =	vpush v5, $0xF;
	v0, _, _ =	vpop (xrf0)  }
0x6f: {  	s25 =	sadd.s32 $0x600, s11;
	s24 =	sadd.s32 $0x680, s11;
	s0 =	spop (v2sf)  }
0x70: {  	s1 =	spop (v2sf)  }
0x71: {  	s28 =	sadd.s32 $0x580, s11;
	s0 =	sshll.u32 s0, $0x4;
	(v2sf) =	vpush v6, $0xF;
	s1 =	sshll.u32 s1, $0x4  }
.Ltmp0:
0x72: {  	s30 =	sand.u32 $0x1FFFFFF0, s0;
	s0 =	spop (v2sf);
	(pc) =	sbr.rel @p0 .LBB2_2-.Ltmp0, $4  }
0x73: {  	s1 =	sand.u32 $0x1FFFFFF0, s1;
	s29 =	sshll.u32 s0, $0x4;
	s0 =	spop (v2sf)  }
0x74: {  	s9 =	sadd.s32 s3, s1;
	s0 =	sshll.u32 s0, $0x4;
	s1 =	spop (v2sf)  }
0x75: {  	s0 =	sand.u32 $0x1FFFFFF0, s0;
	s31 =	sshll.u32 s1, $0x4;
	s1 =	spop (v2sf);
	(v2sf) =	vpush v7, $0xF  }
0x76: {  	[tilespmem:s26], [sflag:$0x1] =	stream.linear.gather [hbm4b:s9+s2], $0x80, $0x38;
	[tilespmem:$0x10200] =	vst v63  }
0x77: {  	s0 =	sadd.s32 s3, s0;
	s1 =	sshll.u32 s1, $0x4  }
0x78: {  	[tilespmem:s20], [sflag:$0x1] =	stream.linear.gather [hbm4b:s0+s2], $0x80, $0x38;
	[tilespmem:$0x10200] =	vst v63  }
0x79: {  	s0 =	sand.u32 $0x1FFFFFF0, s1  }
0x7a: {  	s12 =	spop (v2sf);
	s0 =	sadd.s32 s3, s0  }
0x7b: {  	[tilespmem:s17], [sflag:$0x1] =	stream.linear.gather [hbm4b:s0+s2], $0x80, $0x38;
	[tilespmem:$0x10200] =	vst v63  }
0x7c: {  	s0 =	sshll.u32 s12, $0x4  }
0x7d: {  	s9 =	sadd.s32 s3, s30;
	s0 =	sand.u32 $0x1FFFFFF0, s0  }
0x7e: {  	[tilespmem:s23], [sflag:$0x1] =	stream.linear.gather [hbm4b:s9+s2], $0x80, $0x38;
	[tilespmem:$0x10200] =	vst v63  }
0x7f: {  	s13 =	spop (v2sf);
	s0 =	sadd.s32 s3, s0  }
0x80: {  	[tilespmem:s14], [sflag:$0x1] =	stream.linear.gather [hbm4b:s0+s2], $0x80, $0x38;
	[tilespmem:$0x10200] =	vst v63  }
0x81: {  	s0 =	sshll.u32 s13, $0x4  }
0x82: {  	s0 =	sand.u32 $0x1FFFFFF0, s0  }
0x83: {  	s14 =	sand.u32 $0x1FFFFFF0, s31;
	s0 =	sadd.s32 s3, s0  }
0x84: {  	(v2sf) =	vpush v4, $0xF;
	[tilespmem:s16], [sflag:$0x1] =	stream.linear.gather [hbm4b:s0+s2], $0x80, $0x38;
	[tilespmem:$0x10200] =	vst v63  }
0x85: {  	s0 =	sadd.s32 s3, s14;
	s16 =	sand.u32 $0x1FFFFFF0, s29  }
0x86: {  	[tilespmem:s18], [sflag:$0x1] =	stream.linear.gather [hbm4b:s0+s2], $0x80, $0x38;
	[tilespmem:$0x10200] =	vst v63  }
0x87: {  	s17 =	spop (v2sf);
	s0 =	sadd.s32 s3, s16  }
0x88: {  	(v2sf) =	vpush v3, $0xF;
	[tilespmem:s28], [sflag:$0x1] =	stream.linear.gather [hbm4b:s0+s2], $0x80, $0x38;
	[tilespmem:$0x10200] =	vst v63  }
0x89: {  	s0 =	sshll.u32 s17, $0x4  }
0x8a: {  	s0 =	sand.u32 $0x1FFFFFF0, s0  }
0x8b: {  	s18 =	spop (v2sf);
	s0 =	sadd.s32 s3, s0  }
0x8c: {  	(v2sf) =	vpush v2, $0xF;
	[tilespmem:s25], [sflag:$0x1] =	stream.linear.gather [hbm4b:s0+s2], $0x80, $0x38;
	[tilespmem:$0x10200] =	vst v63  }
0x8d: {  	s0 =	sshll.u32 s18, $0x4  }
0x8e: {  	s0 =	sand.u32 $0x1FFFFFF0, s0  }
0x8f: {  	s20 =	spop (v2sf);
	s0 =	sadd.s32 s3, s0  }
0x90: {  	(v2sf) =	vpush v1, $0xF;
	[tilespmem:s24], [sflag:$0x1] =	stream.linear.gather [hbm4b:s0+s2], $0x80, $0x38;
	[tilespmem:$0x10200] =	vst v63  }
0x91: {  	s0 =	sshll.u32 s20, $0x4  }
0x92: {  	s0 =	sand.u32 $0x1FFFFFF0, s0  }
0x93: {  	s23 =	spop (v2sf);
	s0 =	sadd.s32 s3, s0  }
0x94: {  	(v2sf) =	vpush v0, $0xF;
	[tilespmem:s22], [sflag:$0x1] =	stream.linear.gather [hbm4b:s0+s2], $0x80, $0x38;
	[tilespmem:$0x10200] =	vst v63  }
0x95: {  	s0 =	sshll.u32 s23, $0x4  }
0x96: {  	s0 =	sand.u32 $0x1FFFFFF0, s0  }
0x97: {  	s24 =	spop (v2sf);
	s0 =	sadd.s32 s3, s0  }
0x98: {  	[tilespmem:s21], [sflag:$0x1] =	stream.linear.gather [hbm4b:s0+s2], $0x80, $0x38;
	[tilespmem:$0x10200] =	vst v63  }
0x99: {  	s0 =	sshll.u32 s24, $0x4  }
0x9a: {  	s0 =	sand.u32 $0x1FFFFFF0, s0  }
0x9b: {  	s25 =	spop (v2sf);
	s0 =	sadd.s32 s3, s0  }
0x9c: {  	[tilespmem:s19], [sflag:$0x1] =	stream.linear.gather [hbm4b:s0+s2], $0x80, $0x38;
	[tilespmem:$0x10200] =	vst v63  }
0x9d: {  	s0 =	sshll.u32 s25, $0x4  }
0x9e: {  	s0 =	sand.u32 $0x1FFFFFF0, s0  }
0x9f: {  	s26 =	spop (v2sf);
	s0 =	sadd.s32 s3, s0  }
0xa0: {  	[tilespmem:s15], [sflag:$0x1] =	stream.linear.gather [hbm4b:s0+s2], $0x80, $0x38;
	[tilespmem:$0x10200] =	vst v63  }
0xa1: {  	s0 =	sshll.u32 s26, $0x4  }
0xa2: {  	s0 =	sand.u32 $0x1FFFFFF0, s0  }
0xa3: {  	s28 =	sadd.s32 $0x900, s11;
	s29 =	spop (v2sf);
	s0 =	sadd.s32 s3, s0  }
0xa4: {  	[tilespmem:s28], [sflag:$0x1] =	stream.linear.gather [hbm4b:s0+s2], $0x80, $0x38;
	[tilespmem:$0x10200] =	vst v63  }
0xa5: {  	s0 =	sshll.u32 s29, $0x4  }
0xa6: {  	s0 =	sand.u32 $0x1FFFFFF0, s0  }
0xa7: {  	s30 =	sadd.s32 $0x980, s11;
	s0 =	sadd.s32 s3, s0  }
0xa8: {  	[tilespmem:s30], [sflag:$0x1] =	stream.linear.gather [hbm4b:s0+s2], $0x80, $0x38;
	[tilespmem:$0x10200] =	vst v63  }
0xa9: {  	s10 =	sadd.s32 $0x1, s10;
	_ =	swait.ge [sflag:s8], $0x10000  }
0xaa: {  	p0 =	sne.s32 s10, s6;
	[sflag:s8] =	ssyncset.done $0x0  }
.Ltmp1:
0xab: {  	s31 =	simm.s32 $0x200;
	[sflag:s8] =	ssyncadd.s32 $0xFFFF0000;
	(pc) =	sbr.rel @p0 .LBB2_1-.Ltmp1, $4  }
0xac: {  	[hbm4b:s5+s2] =	stream.linear.scatter [tilespmem:s31], [sflag:$0x2], $0x10000, $0x38;
	[tilespmem:$0x10200] =	vst v63  }
0xad: {  	_ =	swait.ge [sflag:s7], $0x10000  }
0xae: {  	[sflag:s7] =	ssyncset.done $0x0  }
0xaf: {  	[sflag:s7] =	ssyncadd.s32 $0xFFFF0000  }
0xb0: {  	_ =	sfence.sel $0x180000  }
0xb1: {  	[bflag:$0x0] =	sbarrier.arrive $0xFFFF  }
0xb2: {  	_ =	strace $0x90000047  }
0xb3: {  	s0 =	stileid.u32;
	[bflag:$0x2] =	sbarrier.arrive $0xFFFF  }
0xb4: {  	p0 =	sne.s32 s0, $0x0;
	s0 =	rddreg [dreg:$0x2]  }
0xb5: {  	s0 =	sadd.s32 @!p0 $0x100000, s0  }
0xb6: {  	[sflag:s0] =	ssyncadd.tile.s32 @!p0 $0x1;
	_ =	shalt  }
.Lfunc_end2:
_tile_overlayer_lowered:
.L_overlay_start_2:
0xb7: {  	(tag) =	ssettag $0x2  }
0xb8: {  	s0 =	rddreg [dreg:$0x0];
	s2 =	stileid.u32  }
0xb9: {  	s1 =	rddreg [dreg:$0x1];
	p0 =	sne.s32 s2, $0x0  }
0xba: {  	s3 =	rddreg [dreg:$0x2];
	[bflag:$0x3] =	sbarrier.arrive $0xFFFF;
	s2 =	simm.s32 @!p0 $0x1C02  }
0xbb: {  	[timem:s3], [sflag:s2] =	dma.local @!p0 [hbm:s0], s1  }
0xbc: {  	s0 =	simm.s32 @!p0 $0x2  }
0xbd: {  	_ =	swait.ge @!p0 [sflag:s0], s1  }
0xbe: {  	s1 =	ssub.s32 @!p0 $0x0, s1;
	[sflag:s0] =	ssyncset.done @!p0 $0x0  }
0xbf: {  	[sflag:s0] =	ssyncadd.s32 @!p0 s1  }
0xc0: {  	[bflag:$0x3] =	sbarrier.arrive $0xFFFF  }
0xc1: {  	_ =	shalt  }

</sc_bundles>
